<compile_context>
chip_gen: v7x
topology: tpu7x:2x2x1
jax: 0.10.2.dev20260603
libtpu: 0.0.44.dev20260713+nightly
codegen_flags: <defaults>
</compile_context>

<pallas_src>
import dataclasses
import functools

import jax
import jax.numpy as jnp
from jax import lax
from jax.experimental import pallas as pl
from jax.experimental.pallas import tpu as pltpu
from jax.experimental.pallas import tpu_sc as plsc

N = 10000
E = 160000
D = 256
DH = 128

NC = 2
NS = 16
CHUNK = 128


def _make_sc_aggregate(Nn, Ee):
  EPT = Ee // NS
  NFULL = EPT // CHUNK
  REM = EPT - NFULL * CHUNK
  DEG_SPLIT = NFULL // 2
  RPT = (Nn // NS) // 8 * 8
  TAIL = Nn - NS * RPT
  NR = (-(-Nn // 128) + 7) // 8 * 8

  mesh = plsc.VectorSubcoreMesh(core_axis_name="c", subcore_axis_name="s")
  out_type = (
      jax.ShapeDtypeStruct((Nn, DH), jnp.float32),
      jax.ShapeDtypeStruct((Nn, DH), jnp.float32),
      jax.ShapeDtypeStruct((NR, 128), jnp.float32),
      jax.ShapeDtypeStruct((NR, 128), jnp.float32),
  )
  cp = pltpu.CompilerParams()
  if "needs_layout_passes" in pltpu.CompilerParams.__dataclass_fields__:
    cp = dataclasses.replace(cp, needs_layout_passes=False)

  @functools.partial(
      pl.kernel,
      mesh=mesh,
      out_type=out_type,
      compiler_params=cp,
      scratch_types=[
          pltpu.VMEM_SHARED((Nn, DH), jnp.float32),
          pltpu.VMEM_SHARED((NR, 128), jnp.float32),
          pltpu.VMEM((CHUNK,), jnp.int32),
          pltpu.VMEM((CHUNK,), jnp.int32),
          pltpu.VMEM((CHUNK,), jnp.int32),
          pltpu.VMEM((CHUNK,), jnp.int32),
          pltpu.VMEM((CHUNK, DH), jnp.float32),
          pltpu.VMEM((CHUNK, DH), jnp.float32),
          pltpu.VMEM((max(REM, 8),), jnp.int32),
          pltpu.VMEM((max(REM, 8), DH), jnp.float32),
          pltpu.VMEM((NR, 128), jnp.float32),
          pltpu.VMEM((NR,), jnp.int32),
          pltpu.SemaphoreType.DMA,
          pltpu.SemaphoreType.DMA,
          pltpu.SemaphoreType.DMA,
          pltpu.SemaphoreType.DMA,
          pltpu.SemaphoreType.DMA,
      ],
  )
  def k(xcat_hbm, src_hbm, dst_hbm, zeros_hbm, iota_hbm,
        agg0_hbm, agg1_hbm, deg0_hbm, deg1_hbm,
        acc, dacc, src_v0, src_v1, dst_v0, dst_v1, rows_v0, rows_v1,
        dst_r, rows_r, hist, iota_v, sem, gsem0, gsem1, isem0, isem1):
    c = lax.axis_index("c")
    t = lax.axis_index("s")
    row0 = t * RPT
    pltpu.async_copy(
        xcat_hbm.at[pl.ds(c * Nn + row0, RPT)], acc.at[pl.ds(row0, RPT)], sem
    ).wait()
    if TAIL:
      @pl.when(t == NS - 1)
      def _():
        pltpu.async_copy(
            xcat_hbm.at[pl.ds(c * Nn + NS * RPT, TAIL)],
            acc.at[pl.ds(NS * RPT, TAIL)], sem
        ).wait()

    ebase = t * EPT
    sbase = c * Ee + ebase
    pltpu.async_copy(zeros_hbm.at[pl.ds(0, NR)], hist, sem).wait()
    pltpu.async_copy(iota_hbm, iota_v, sem).wait()

    @pl.when(t == 0)
    def _():
      pltpu.sync_copy(zeros_hbm.at[pl.ds(0, NR)], dacc)

    plsc.subcore_barrier()

    ones16 = jnp.ones((16,), jnp.float32)

    def count(idx):
      plsc.addupdate_scatter(
          hist, [lax.shift_right_logical(idx, 7), lax.bitwise_and(idx, 127)],
          ones16)

    src_slots = (src_v0, src_v1)
    dst_slots = (dst_v0, dst_v1)
    row_slots = (rows_v0, rows_v1)
    gsems = (gsem0, gsem1)
    isems = (isem0, isem1)

    def idx_load(i, w):
      pltpu.async_copy(src_hbm.at[pl.ds(sbase + i * CHUNK, CHUNK)],
                       src_slots[w], isems[w])
      pltpu.async_copy(dst_hbm.at[pl.ds(ebase + i * CHUNK, CHUNK)],
                       dst_slots[w], isems[w])

    def idx_wait(w):
      pltpu.make_async_copy(src_hbm.at[pl.ds(0, CHUNK)],
                            src_slots[w], isems[w]).wait()
      pltpu.make_async_copy(dst_hbm.at[pl.ds(0, CHUNK)],
                            dst_slots[w], isems[w]).wait()

    def gather(i, w):
      pltpu.async_copy(xcat_hbm.at[src_slots[w]], row_slots[w], gsems[w])

    idx_load(0, 0)
    idx_load(1, 1)
    idx_wait(0)
    gather(0, 0)

    @pl.loop(0, NFULL, step=2)
    def _(kk):
      for u in (0, 1):
        i = kk + u
        w = 1 - u
        if u == 0:
          idx_wait(w)
          gather(i + 1, w)
        else:
          @pl.when(i + 1 < NFULL)
          def _():
            idx_wait(w)
            gather(i + 1, w)
        @pl.when((c == 0) == (i < DEG_SPLIT))
        def _():
          @pl.loop(0, CHUNK, step=16)
          def _(j):
            count(dst_slots[u][pl.ds(j, 16)])

        pltpu.make_async_copy(
            xcat_hbm.at[src_slots[u]], row_slots[u], gsems[u]).wait()
        pltpu.sync_copy(row_slots[u], acc.at[dst_slots[u]], add=True)

        if u == 0:
          @pl.when(i + 2 < NFULL)
          def _():
            idx_load(i + 2, u)
        else:
          @pl.when(i + 2 < NFULL)
          def _():
            idx_load(i + 2, u)

    if REM:
      off = ebase + NFULL * CHUNK
      pltpu.sync_copy(dst_hbm.at[pl.ds(off, REM)], dst_r)
      pltpu.sync_copy(src_hbm.at[pl.ds(sbase + NFULL * CHUNK, REM)],
                      src_v0.at[pl.ds(0, REM)])
      pltpu.async_copy(
          xcat_hbm.at[src_v0.at[pl.ds(0, REM)]], rows_r, sem).wait()
      pltpu.sync_copy(rows_r, acc.at[dst_r], add=True)

      @pl.when(c == 1)
      def _():
        @pl.loop(0, REM, step=16)
        def _(j):
          count(dst_r[pl.ds(j, 16)])

    pltpu.sync_copy(hist, dacc.at[iota_v], add=True)
    plsc.subcore_barrier()

    @pl.when(c == 0)
    def _():
      @pl.when(t == 0)
      def _():
        pltpu.sync_copy(dacc, deg0_hbm)
      pltpu.sync_copy(acc.at[pl.ds(row0, RPT)], agg0_hbm.at[pl.ds(row0, RPT)])
      if TAIL:
        @pl.when(t == NS - 1)
        def _():
          pltpu.sync_copy(acc.at[pl.ds(NS * RPT, TAIL)],
                          agg0_hbm.at[pl.ds(NS * RPT, TAIL)])

    @pl.when(c == 1)
    def _():
      @pl.when(t == 0)
      def _():
        pltpu.sync_copy(dacc, deg1_hbm)
      pltpu.sync_copy(acc.at[pl.ds(row0, RPT)], agg1_hbm.at[pl.ds(row0, RPT)])
      if TAIL:
        @pl.when(t == NS - 1)
        def _():
          pltpu.sync_copy(acc.at[pl.ds(NS * RPT, TAIL)],
                          agg1_hbm.at[pl.ds(NS * RPT, TAIL)])

  return k, NR, RPT


BR = 1000


def _tc_body(agg0, agg1, deg0, deg1, w, b, gamma, beta, out):
  deg = deg0[...] + deg1[...] + 1.0
  h = jnp.concatenate([agg0[...], agg1[...]], axis=1) / deg
  y = lax.dot_general(
      h, w[...], (((1,), (1,)), ((), ())), preferred_element_type=jnp.float32
  ) + b[...]
  mean = jnp.mean(y, axis=1, keepdims=True)
  var = jnp.mean((y - mean) ** 2, axis=1, keepdims=True)
  yn = (y - mean) * lax.rsqrt(var + 1e-5) * gamma[...] + beta[...]
  out[...] = jnp.maximum(yn, 0.0)


def _tc_linear_ln_relu(agg0, agg1, deg0, deg1, W, b, gamma, beta):
  grid = (N // BR,)
  return pl.pallas_call(
      _tc_body,
      grid=grid,
      in_specs=[
          pl.BlockSpec((BR, DH), lambda i: (i, 0)),
          pl.BlockSpec((BR, DH), lambda i: (i, 0)),
          pl.BlockSpec((BR, 1), lambda i: (i, 0)),
          pl.BlockSpec((BR, 1), lambda i: (i, 0)),
          pl.BlockSpec((D, D), lambda i: (0, 0)),
          pl.BlockSpec((1, D), lambda i: (0, 0)),
          pl.BlockSpec((1, D), lambda i: (0, 0)),
          pl.BlockSpec((1, D), lambda i: (0, 0)),
      ],
      out_specs=pl.BlockSpec((BR, D), lambda i: (i, 0)),
      out_shape=jax.ShapeDtypeStruct((N, D), jnp.float32),
  )(agg0, agg1, deg0, deg1, W, b, gamma, beta)


def kernel(x, edge_index, W, b, gamma, beta):
  src = edge_index[0].astype(jnp.int32)
  dst = edge_index[1].astype(jnp.int32)
  xcat = jnp.concatenate([x[:, :DH], x[:, DH:]], axis=0)
  srcadj = jnp.concatenate([src, src + N])
  sc_fn, NR, RPT = _make_sc_aggregate(N, E)
  zeros = jnp.zeros((RPT, 128), jnp.float32)
  iota = jnp.arange(NR, dtype=jnp.int32)
  agg0, agg1, deg0, deg1 = sc_fn(xcat, srcadj, dst, zeros, iota)
  return _tc_linear_ln_relu(
      agg0, agg1,
      deg0.reshape(-1)[:N].reshape(N, 1),
      deg1.reshape(-1)[:N].reshape(N, 1), W,
      b.reshape(1, D), gamma.reshape(1, D), beta.reshape(1, D)
  )

# --- scband reference (transcript-rebuilt; emitter-appended) ---
"""Pipeline reference for scband-graph-conv-layer-18399639896423 (READ-ONLY COPY).

The authoritative reference and input builder live on the scoring server;
editing this copy changes nothing except your own understanding.
"""

import jax, jax.numpy as jnp
import numpy as np

N_NODES = 10000
N_EDGES = 160000
D_IN = 256
D_OUT = 256


def setup_inputs(seed: int = 0) -> dict:
    key = jax.random.key(seed)
    k1, k2, k3, k4, k5, k6 = jax.random.split(key, 6)
    x = jax.random.normal(k1, (N_NODES, D_IN), dtype=jnp.float32)
    edge_index = jax.random.randint(k2, (2, N_EDGES), 0, N_NODES, dtype=jnp.int64)
    # nn.Linear(in_dim, out_dim): weight (out, in), bias (out,)
    limit = 1.0 / np.sqrt(D_IN)
    W = jax.random.uniform(k3, (D_OUT, D_IN), minval=-limit, maxval=limit, dtype=jnp.float32)
    b = jax.random.uniform(k4, (D_OUT,), minval=-limit, maxval=limit, dtype=jnp.float32)
    # LayerNorm params
    gamma = jnp.ones((D_OUT,), dtype=jnp.float32)
    beta = jnp.zeros((D_OUT,), dtype=jnp.float32)
    return {"x": x, "edge_index": edge_index, "W": W, "b": b, "gamma": gamma, "beta": beta}


def reference(x, edge_index, W, b, gamma, beta):
    N = x.shape[0]
    src = edge_index[0]
    dst = edge_index[1]
    # scatter-add neighbor features to destination nodes
    agg = jnp.zeros_like(x).at[dst].add(x[src])
    # degree count via scatter-add of ones
    deg = jnp.zeros((N,), dtype=x.dtype).at[dst].add(jnp.ones((dst.shape[0],), dtype=x.dtype))
    deg = jnp.clip(deg + 1.0, 1.0, None)[:, None]
    out = (x + agg) / deg
    # linear
    out = out @ W.T + b
    # layernorm (eps matches torch default 1e-5)
    mean = jnp.mean(out, axis=-1, keepdims=True)
    var = jnp.var(out, axis=-1, keepdims=True)
    out = (out - mean) / jnp.sqrt(var + 1e-5) * gamma + beta
    return jax.nn.relu(out)

if __name__ == "__main__":
    import jax
    _d = setup_inputs()
    print(jax.jit(kernel)(*tuple(_d.values())))

</pallas_src>

<mosaic_0001>
#map = affine_map<(d0, d1) -> (0, 0)>
#map1 = affine_map<(d0, d1) -> (0)>
module attributes {stable_mosaic.version = 14 : i64} {
  func.func @k(%arg0: i32, %arg1: i32, %arg2: memref<20000x128xf32, #tpu.memory_space<hbm>>, %arg3: memref<320000xi32, #tpu.memory_space<hbm>>, %arg4: memref<160000xi32, #tpu.memory_space<hbm>>, %arg5: memref<624x128xf32, #tpu.memory_space<hbm>>, %arg6: memref<80xi32, #tpu.memory_space<hbm>>, %arg7: memref<10000x128xf32, #tpu.memory_space<hbm>>, %arg8: memref<10000x128xf32, #tpu.memory_space<hbm>>, %arg9: memref<80x128xf32, #tpu.memory_space<hbm>>, %arg10: memref<80x128xf32, #tpu.memory_space<hbm>>, %arg11: memref<10000x128xf32, #tpu.memory_space<vmem_shared>>, %arg12: memref<80x128xf32, #tpu.memory_space<vmem_shared>>, %arg13: memref<128xi32, #tpu.memory_space<vmem>>, %arg14: memref<128xi32, #tpu.memory_space<vmem>>, %arg15: memref<128xi32, #tpu.memory_space<vmem>>, %arg16: memref<128xi32, #tpu.memory_space<vmem>>, %arg17: memref<128x128xf32, #tpu.memory_space<vmem>>, %arg18: memref<128x128xf32, #tpu.memory_space<vmem>>, %arg19: memref<16xi32, #tpu.memory_space<vmem>>, %arg20: memref<16x128xf32, #tpu.memory_space<vmem>>, %arg21: memref<80x128xf32, #tpu.memory_space<vmem>>, %arg22: memref<80xi32, #tpu.memory_space<vmem>>, %arg23: memref<!tpu.dma_semaphore, #tpu.memory_space<semaphore_mem>>, %arg24: memref<!tpu.dma_semaphore, #tpu.memory_space<semaphore_mem>>, %arg25: memref<!tpu.dma_semaphore, #tpu.memory_space<semaphore_mem>>, %arg26: memref<!tpu.dma_semaphore, #tpu.memory_space<semaphore_mem>>, %arg27: memref<!tpu.dma_semaphore, #tpu.memory_space<semaphore_mem>>) attributes {dimension_semantics = [#tpu.dimension_semantics<core_parallel>, #tpu.dimension_semantics<subcore_parallel>], iteration_bounds = array<i64: 2, 16>, scalar_prefetch = 0 : i64, scratch_operands = 17 : i64, tpu.core_type = #tpu.core_type<sc_vector_subcore>, window_params = [{transform_indices = #map}, {transform_indices = #map1}, {transform_indices = #map1}, {transform_indices = #map}, {transform_indices = #map1}, {transform_indices = #map}, {transform_indices = #map}, {transform_indices = #map}, {transform_indices = #map}]} {
    %mul3A = arith.constant 624 : i32
    %mul3A_0 = arith.muli %arg1, %mul3A : i32
    %mul3A_1 = arith.constant 10000 : i32
    %mul3A_2 = arith.muli %arg0, %mul3A_1 : i32
    %add3A = arith.addi %mul3A_2, %mul3A_0 : i32
    %dma_start3A = arith.constant 0 : i32
    %dma_start3A_3 = tpu.memref_slice %arg11[%mul3A_0, %dma_start3A] : memref<10000x128xf32, #tpu.memory_space<vmem_shared>> -> memref<624x128xf32, #tpu.memory_space<vmem_shared>>
    %dma_start3A_4 = arith.constant 0 : i32
    %dma_start3A_5 = tpu.memref_slice %arg2[%add3A, %dma_start3A_4] : memref<20000x128xf32, #tpu.memory_space<hbm>> -> memref<624x128xf32, #tpu.memory_space<hbm>>
    tpu.enqueue_dma source(%dma_start3A_5 : memref<624x128xf32, #tpu.memory_space<hbm>>) target(%dma_start3A_3 : memref<624x128xf32, #tpu.memory_space<vmem_shared>>) target_semaphore(%arg23 : memref<!tpu.dma_semaphore, #tpu.memory_space<semaphore_mem>>)
    %dma_wait3A = arith.constant 0 : i32
    %dma_wait3A_6 = tpu.memref_slice %arg11[%mul3A_0, %dma_wait3A] : memref<10000x128xf32, #tpu.memory_space<vmem_shared>> -> memref<624x128xf32, #tpu.memory_space<vmem_shared>>
    %dma_wait3A_7 = arith.constant 0 : i32
    %dma_wait3A_8 = tpu.memref_slice %arg2[%add3A, %dma_wait3A_7] : memref<20000x128xf32, #tpu.memory_space<hbm>> -> memref<624x128xf32, #tpu.memory_space<hbm>>
    tpu.wait_dma2 semaphore(%arg23 : memref<!tpu.dma_semaphore, #tpu.memory_space<semaphore_mem>>) src(%dma_wait3A_8 : memref<624x128xf32, #tpu.memory_space<hbm>>) dst(%dma_wait3A_6 : memref<624x128xf32, #tpu.memory_space<vmem_shared>>)
    %eq3A = arith.constant 15 : i32
    %eq3A_9 = arith.cmpi eq, %arg1, %eq3A : i32
    %convert_element_type3A = arith.extui %eq3A_9 : i1 to i32
    %cond3A = arith.constant 0 : i32
    %cond3A_10 = arith.cmpi ne, %convert_element_type3A, %cond3A : i32
    scf.if %cond3A_10 {
      %mul3A_95 = arith.constant 10000 : i32
      %mul3A_96 = arith.muli %arg0, %mul3A_95 : i32
      %add3A_97 = arith.constant 9984 : i32
      %add3A_98 = arith.addi %mul3A_96, %add3A_97 : i32
      %dma_start3A_99 = arith.constant 9984 : i32
      %dma_start3A_100 = arith.constant 0 : i32
      %dma_start3A_101 = tpu.memref_slice %arg11[%dma_start3A_99, %dma_start3A_100] : memref<10000x128xf32, #tpu.memory_space<vmem_shared>> -> memref<16x128xf32, #tpu.memory_space<vmem_shared>>
      %dma_start3A_102 = arith.constant 0 : i32
      %dma_start3A_103 = tpu.memref_slice %arg2[%add3A_98, %dma_start3A_102] : memref<20000x128xf32, #tpu.memory_space<hbm>> -> memref<16x128xf32, #tpu.memory_space<hbm>>
      tpu.enqueue_dma source(%dma_start3A_103 : memref<16x128xf32, #tpu.memory_space<hbm>>) target(%dma_start3A_101 : memref<16x128xf32, #tpu.memory_space<vmem_shared>>) target_semaphore(%arg23 : memref<!tpu.dma_semaphore, #tpu.memory_space<semaphore_mem>>)
      %dma_wait3A_104 = arith.constant 9984 : i32
      %dma_wait3A_105 = arith.constant 0 : i32
      %dma_wait3A_106 = tpu.memref_slice %arg11[%dma_wait3A_104, %dma_wait3A_105] : memref<10000x128xf32, #tpu.memory_space<vmem_shared>> -> memref<16x128xf32, #tpu.memory_space<vmem_shared>>
      %dma_wait3A_107 = arith.constant 0 : i32
      %dma_wait3A_108 = tpu.memref_slice %arg2[%add3A_98, %dma_wait3A_107] : memref<20000x128xf32, #tpu.memory_space<hbm>> -> memref<16x128xf32, #tpu.memory_space<hbm>>
      tpu.wait_dma2 semaphore(%arg23 : memref<!tpu.dma_semaphore, #tpu.memory_space<semaphore_mem>>) src(%dma_wait3A_108 : memref<16x128xf32, #tpu.memory_space<hbm>>) dst(%dma_wait3A_106 : memref<16x128xf32, #tpu.memory_space<vmem_shared>>)
    } else {
    }
    %mul3A_11 = arith.constant 10000 : i32
    %mul3A_12 = arith.muli %arg1, %mul3A_11 : i32
    %mul3A_13 = arith.constant 160000 : i32
    %mul3A_14 = arith.muli %arg0, %mul3A_13 : i32
    %add3A_15 = arith.addi %mul3A_14, %mul3A_12 : i32
    %dma_start3A_16 = arith.constant 0 : i32
    %dma_start3A_17 = arith.constant 0 : i32
    %dma_start3A_18 = tpu.memref_slice %arg5[%dma_start3A_16, %dma_start3A_17] : memref<624x128xf32, #tpu.memory_space<hbm>> -> memref<80x128xf32, #tpu.memory_space<hbm>>
    %dma_start3A_19 = arith.constant 0 : i32
    %dma_start3A_20 = arith.constant 0 : i32
    %dma_start3A_21 = tpu.memref_slice %arg5[%dma_start3A_19, %dma_start3A_20] : memref<624x128xf32, #tpu.memory_space<hbm>> -> memref<80x128xf32, #tpu.memory_space<hbm>>
    tpu.enqueue_dma source(%dma_start3A_21 : memref<80x128xf32, #tpu.memory_space<hbm>>) target(%arg21 : memref<80x128xf32, #tpu.memory_space<vmem>>) target_semaphore(%arg23 : memref<!tpu.dma_semaphore, #tpu.memory_space<semaphore_mem>>)
    %dma_wait3A_22 = arith.constant 0 : i32
    %dma_wait3A_23 = arith.constant 0 : i32
    %dma_wait3A_24 = tpu.memref_slice %arg5[%dma_wait3A_22, %dma_wait3A_23] : memref<624x128xf32, #tpu.memory_space<hbm>> -> memref<80x128xf32, #tpu.memory_space<hbm>>
    %dma_wait3A_25 = arith.constant 0 : i32
    %dma_wait3A_26 = arith.constant 0 : i32
    %dma_wait3A_27 = tpu.memref_slice %arg5[%dma_wait3A_25, %dma_wait3A_26] : memref<624x128xf32, #tpu.memory_space<hbm>> -> memref<80x128xf32, #tpu.memory_space<hbm>>
    tpu.wait_dma2 semaphore(%arg23 : memref<!tpu.dma_semaphore, #tpu.memory_space<semaphore_mem>>) src(%dma_wait3A_27 : memref<80x128xf32, #tpu.memory_space<hbm>>) dst(%arg21 : memref<80x128xf32, #tpu.memory_space<vmem>>)
    tpu.enqueue_dma source(%arg6 : memref<80xi32, #tpu.memory_space<hbm>>) target(%arg22 : memref<80xi32, #tpu.memory_space<vmem>>) target_semaphore(%arg23 : memref<!tpu.dma_semaphore, #tpu.memory_space<semaphore_mem>>)
    tpu.wait_dma2 semaphore(%arg23 : memref<!tpu.dma_semaphore, #tpu.memory_space<semaphore_mem>>) src(%arg6 : memref<80xi32, #tpu.memory_space<hbm>>) dst(%arg22 : memref<80xi32, #tpu.memory_space<vmem>>)
    %eq3A_28 = arith.constant 0 : i32
    %eq3A_29 = arith.cmpi eq, %arg1, %eq3A_28 : i32
    %convert_element_type3A_30 = arith.extui %eq3A_29 : i1 to i32
    %cond3A_31 = arith.constant 0 : i32
    %cond3A_32 = arith.cmpi ne, %convert_element_type3A_30, %cond3A_31 : i32
    scf.if %cond3A_32 {
      "tpu.region"() ({
        %run_scoped3A = tpu.sem_alloc : memref<!tpu.dma_semaphore, #tpu.memory_space<semaphore_mem>>
        %dma_start3A_95 = arith.constant 0 : i32
        %dma_start3A_96 = arith.constant 0 : i32
        %dma_start3A_97 = tpu.memref_slice %arg5[%dma_start3A_95, %dma_start3A_96] : memref<624x128xf32, #tpu.memory_space<hbm>> -> memref<80x128xf32, #tpu.memory_space<hbm>>
        tpu.enqueue_dma source(%dma_start3A_97 : memref<80x128xf32, #tpu.memory_space<hbm>>) target(%arg12 : memref<80x128xf32, #tpu.memory_space<vmem_shared>>) target_semaphore(%run_scoped3A : memref<!tpu.dma_semaphore, #tpu.memory_space<semaphore_mem>>)
        %dma_wait3A_98 = arith.constant 0 : i32
        %dma_wait3A_99 = arith.constant 0 : i32
        %dma_wait3A_100 = tpu.memref_slice %arg5[%dma_wait3A_98, %dma_wait3A_99] : memref<624x128xf32, #tpu.memory_space<hbm>> -> memref<80x128xf32, #tpu.memory_space<hbm>>
        tpu.wait_dma2 semaphore(%run_scoped3A : memref<!tpu.dma_semaphore, #tpu.memory_space<semaphore_mem>>) src(%dma_wait3A_100 : memref<80x128xf32, #tpu.memory_space<hbm>>) dst(%arg12 : memref<80x128xf32, #tpu.memory_space<vmem_shared>>)
        tpu.yield
      }) : () -> ()
    } else {
    }
    %barrier3A = arith.constant 0 : index
    tpu.barrier barrier_id(%barrier3A)
    %broadcast_in_dim3A = arith.constant 1.000000e+00 : f32
    %broadcast_in_dim3A_33 = vector.broadcast %broadcast_in_dim3A : f32 to vector<16xf32>
    %add3A_34 = arith.constant 0 : i32
    %add3A_35 = arith.addi %add3A_15, %add3A_34 : i32
    %dma_start3A_36 = tpu.memref_slice %arg3[%add3A_35] : memref<320000xi32, #tpu.memory_space<hbm>> -> memref<128xi32, #tpu.memory_space<hbm>>
    %dma_start3A_37 = tpu.memref_slice %arg3[%add3A_35] : memref<320000xi32, #tpu.memory_space<hbm>> -> memref<128xi32, #tpu.memory_space<hbm>>
    tpu.enqueue_dma source(%dma_start3A_37 : memref<128xi32, #tpu.memory_space<hbm>>) target(%arg13 : memref<128xi32, #tpu.memory_space<vmem>>) target_semaphore(%arg26 : memref<!tpu.dma_semaphore, #tpu.memory_space<semaphore_mem>>)
    %add3A_38 = arith.constant 0 : i32
    %add3A_39 = arith.addi %mul3A_12, %add3A_38 : i32
    %dma_start3A_40 = tpu.memref_slice %arg4[%add3A_39] : memref<160000xi32, #tpu.memory_space<hbm>> -> memref<128xi32, #tpu.memory_space<hbm>>
    %dma_start3A_41 = tpu.memref_slice %arg4[%add3A_39] : memref<160000xi32, #tpu.memory_space<hbm>> -> memref<128xi32, #tpu.memory_space<hbm>>
    tpu.enqueue_dma source(%dma_start3A_41 : memref<128xi32, #tpu.memory_space<hbm>>) target(%arg15 : memref<128xi32, #tpu.memory_space<vmem>>) target_semaphore(%arg26 : memref<!tpu.dma_semaphore, #tpu.memory_space<semaphore_mem>>)
    %add3A_42 = arith.constant 128 : i32
    %add3A_43 = arith.addi %add3A_15, %add3A_42 : i32
    %dma_start3A_44 = tpu.memref_slice %arg3[%add3A_43] : memref<320000xi32, #tpu.memory_space<hbm>> -> memref<128xi32, #tpu.memory_space<hbm>>
    %dma_start3A_45 = tpu.memref_slice %arg3[%add3A_43] : memref<320000xi32, #tpu.memory_space<hbm>> -> memref<128xi32, #tpu.memory_space<hbm>>
    tpu.enqueue_dma source(%dma_start3A_45 : memref<128xi32, #tpu.memory_space<hbm>>) target(%arg14 : memref<128xi32, #tpu.memory_space<vmem>>) target_semaphore(%arg27 : memref<!tpu.dma_semaphore, #tpu.memory_space<semaphore_mem>>)
    %add3A_46 = arith.constant 128 : i32
    %add3A_47 = arith.addi %mul3A_12, %add3A_46 : i32
    %dma_start3A_48 = tpu.memref_slice %arg4[%add3A_47] : memref<160000xi32, #tpu.memory_space<hbm>> -> memref<128xi32, #tpu.memory_space<hbm>>
    %dma_start3A_49 = tpu.memref_slice %arg4[%add3A_47] : memref<160000xi32, #tpu.memory_space<hbm>> -> memref<128xi32, #tpu.memory_space<hbm>>
    tpu.enqueue_dma source(%dma_start3A_49 : memref<128xi32, #tpu.memory_space<hbm>>) target(%arg16 : memref<128xi32, #tpu.memory_space<vmem>>) target_semaphore(%arg27 : memref<!tpu.dma_semaphore, #tpu.memory_space<semaphore_mem>>)
    %dma_wait3A_50 = arith.constant 0 : i32
    %dma_wait3A_51 = tpu.memref_slice %arg3[%dma_wait3A_50] : memref<320000xi32, #tpu.memory_space<hbm>> -> memref<128xi32, #tpu.memory_space<hbm>>
    %dma_wait3A_52 = arith.constant 0 : i32
    %dma_wait3A_53 = tpu.memref_slice %arg3[%dma_wait3A_52] : memref<320000xi32, #tpu.memory_space<hbm>> -> memref<128xi32, #tpu.memory_space<hbm>>
    tpu.wait_dma2 semaphore(%arg26 : memref<!tpu.dma_semaphore, #tpu.memory_space<semaphore_mem>>) src(%dma_wait3A_53 : memref<128xi32, #tpu.memory_space<hbm>>) dst(%arg13 : memref<128xi32, #tpu.memory_space<vmem>>)
    %dma_wait3A_54 = arith.constant 0 : i32
    %dma_wait3A_55 = tpu.memref_slice %arg4[%dma_wait3A_54] : memref<160000xi32, #tpu.memory_space<hbm>> -> memref<128xi32, #tpu.memory_space<hbm>>
    %dma_wait3A_56 = arith.constant 0 : i32
    %dma_wait3A_57 = tpu.memref_slice %arg4[%dma_wait3A_56] : memref<160000xi32, #tpu.memory_space<hbm>> -> memref<128xi32, #tpu.memory_space<hbm>>
    tpu.wait_dma2 semaphore(%arg26 : memref<!tpu.dma_semaphore, #tpu.memory_space<semaphore_mem>>) src(%dma_wait3A_57 : memref<128xi32, #tpu.memory_space<hbm>>) dst(%arg15 : memref<128xi32, #tpu.memory_space<vmem>>)
    %dma_start3A_58 = arith.constant 0 : i32
    %dma_start3A_59 = arith.constant 0 : i32
    %dma_start3A_60 = tpu.memref_slice %arg2[%dma_start3A_58, %dma_start3A_59] : memref<20000x128xf32, #tpu.memory_space<hbm>> -> memref<20000x128xf32, #tpu.memory_space<hbm>>
    tpu.enqueue_indirect_dma source(%dma_start3A_60 : memref<20000x128xf32, #tpu.memory_space<hbm>>) target(%arg17 : memref<128x128xf32, #tpu.memory_space<vmem>>) offsets(%arg13 : memref<128xi32, #tpu.memory_space<vmem>>) semaphore(%arg24 : memref<!tpu.dma_semaphore, #tpu.memory_space<semaphore_mem>>)
    %scan3A = arith.constant 0 : i32
    %scan3A_61 = arith.constant 39 : i32
    %scan3A_62 = arith.addi %scan3A, %scan3A_61 : i32
    %scan3A_63 = arith.constant 1 : i32
    scf.for %scan3A_95 = %scan3A to %scan3A_62 step %scan3A_63  : i32 {
      %mul3A_96 = arith.constant 2 : i32
      %mul3A_97 = arith.muli %scan3A_95, %mul3A_96 : i32
      %add3A_98 = arith.constant 0 : i32
      %add3A_99 = arith.addi %add3A_98, %mul3A_97 : i32
      %add3A_100 = arith.constant 0 : i32
      %add3A_101 = arith.addi %add3A_99, %add3A_100 : i32
      %dma_wait3A_102 = arith.constant 0 : i32
      %dma_wait3A_103 = tpu.memref_slice %arg3[%dma_wait3A_102] : memref<320000xi32, #tpu.memory_space<hbm>> -> memref<128xi32, #tpu.memory_space<hbm>>
      %dma_wait3A_104 = arith.constant 0 : i32
      %dma_wait3A_105 = tpu.memref_slice %arg3[%dma_wait3A_104] : memref<320000xi32, #tpu.memory_space<hbm>> -> memref<128xi32, #tpu.memory_space<hbm>>
      tpu.wait_dma2 semaphore(%arg27 : memref<!tpu.dma_semaphore, #tpu.memory_space<semaphore_mem>>) src(%dma_wait3A_105 : memref<128xi32, #tpu.memory_space<hbm>>) dst(%arg14 : memref<128xi32, #tpu.memory_space<vmem>>)
      %dma_wait3A_106 = arith.constant 0 : i32
      %dma_wait3A_107 = tpu.memref_slice %arg4[%dma_wait3A_106] : memref<160000xi32, #tpu.memory_space<hbm>> -> memref<128xi32, #tpu.memory_space<hbm>>
      %dma_wait3A_108 = arith.constant 0 : i32
      %dma_wait3A_109 = tpu.memref_slice %arg4[%dma_wait3A_108] : memref<160000xi32, #tpu.memory_space<hbm>> -> memref<128xi32, #tpu.memory_space<hbm>>
      tpu.wait_dma2 semaphore(%arg27 : memref<!tpu.dma_semaphore, #tpu.memory_space<semaphore_mem>>) src(%dma_wait3A_109 : memref<128xi32, #tpu.memory_space<hbm>>) dst(%arg16 : memref<128xi32, #tpu.memory_space<vmem>>)
      %add3A_110 = arith.constant 1 : i32
      %add3A_111 = arith.addi %add3A_101, %add3A_110 : i32
      %dma_start3A_112 = arith.constant 0 : i32
      %dma_start3A_113 = arith.constant 0 : i32
      %dma_start3A_114 = tpu.memref_slice %arg2[%dma_start3A_112, %dma_start3A_113] : memref<20000x128xf32, #tpu.memory_space<hbm>> -> memref<20000x128xf32, #tpu.memory_space<hbm>>
      tpu.enqueue_indirect_dma source(%dma_start3A_114 : memref<20000x128xf32, #tpu.memory_space<hbm>>) target(%arg18 : memref<128x128xf32, #tpu.memory_space<vmem>>) offsets(%arg14 : memref<128xi32, #tpu.memory_space<vmem>>) semaphore(%arg25 : memref<!tpu.dma_semaphore, #tpu.memory_space<semaphore_mem>>)
      %eq3A_115 = arith.constant 0 : i32
      %eq3A_116 = arith.cmpi eq, %arg0, %eq3A_115 : i32
      %lt3A = arith.constant 39 : i32
      %lt3A_117 = arith.cmpi slt, %add3A_101, %lt3A : i32
      %eq3A_118 = arith.xori %eq3A_116, %lt3A_117 : i1
      %eq3A_119 = arith.constant true
      %eq3A_120 = arith.xori %eq3A_118, %eq3A_119 : i1
      %convert_element_type3A_121 = arith.extui %eq3A_120 : i1 to i32
      %cond3A_122 = arith.constant 0 : i32
      %cond3A_123 = arith.cmpi ne, %convert_element_type3A_121, %cond3A_122 : i32
      scf.if %cond3A_123 {
        %scan3A_163 = arith.constant 0 : i32
        %scan3A_164 = arith.constant 8 : i32
        %scan3A_165 = arith.addi %scan3A_163, %scan3A_164 : i32
        %scan3A_166 = arith.constant 1 : i32
        scf.for %scan3A_168 = %scan3A_163 to %scan3A_165 step %scan3A_166  : i32 {
          %mul3A_169 = arith.constant 16 : i32
          %mul3A_170 = arith.muli %scan3A_168, %mul3A_169 : i32
          %add3A_171 = arith.constant 0 : i32
          %add3A_172 = arith.addi %add3A_171, %mul3A_170 : i32
          %get3A = arith.index_cast %add3A_172 : i32 to index
          %get3A_173 = tpu.vector_load %arg15[%get3A] {strides = array<i32>} : memref<128xi32, #tpu.memory_space<vmem>>, vector<16xi32>,
          %shift_right_logical3A = arith.constant 7 : i32
          %shift_right_logical3A_174 = vector.broadcast %shift_right_logical3A : i32 to vector<16xi32>
          %shift_right_logical3A_175 = arith.shrui %get3A_173, %shift_right_logical3A_174 : vector<16xi32>
          %and3A = arith.constant 127 : i32
          %and3A_176 = vector.broadcast %and3A : i32 to vector<16xi32>
          %and3A_177 = arith.andi %get3A_173, %and3A_176 : vector<16xi32>
          tpu.vector_store_idx %arg21[%shift_right_logical3A_175, %and3A_177], %broadcast_in_dim3A_33 {add = true} : memref<80x128xf32, #tpu.memory_space<vmem>>[vector<16xi32>, vector<16xi32>], vector<16xf32>,
        }
        %scan3A_167 = arith.constant 8 : i32
      } else {
      }
      %dma_wait3A_124 = arith.constant 0 : i32
      %dma_wait3A_125 = arith.constant 0 : i32
      %dma_wait3A_126 = tpu.memref_slice %arg2[%dma_wait3A_124, %dma_wait3A_125] : memref<20000x128xf32, #tpu.memory_space<hbm>> -> memref<20000x128xf32, #tpu.memory_space<hbm>>
      tpu.wait_indirect_dma semaphore(%arg24 : memref<!tpu.dma_semaphore, #tpu.memory_space<semaphore_mem>>) src(%dma_wait3A_126 : memref<20000x128xf32, #tpu.memory_space<hbm>>) dst(%arg17 : memref<128x128xf32, #tpu.memory_space<vmem>>)
      "tpu.region"() ({
        %run_scoped3A = tpu.sem_alloc : memref<!tpu.dma_semaphore, #tpu.memory_space<semaphore_mem>>
        %dma_start3A_163 = arith.constant 0 : i32
        %dma_start3A_164 = arith.constant 0 : i32
        %dma_start3A_165 = tpu.memref_slice %arg11[%dma_start3A_163, %dma_start3A_164] : memref<10000x128xf32, #tpu.memory_space<vmem_shared>> -> memref<10000x128xf32, #tpu.memory_space<vmem_shared>>
        tpu.enqueue_indirect_dma source(%arg17 : memref<128x128xf32, #tpu.memory_space<vmem>>) target(%dma_start3A_165 : memref<10000x128xf32, #tpu.memory_space<vmem_shared>>) offsets(%arg15 : memref<128xi32, #tpu.memory_space<vmem>>) semaphore(%run_scoped3A : memref<!tpu.dma_semaphore, #tpu.memory_space<semaphore_mem>>) {add = true}
        %dma_wait3A_166 = arith.constant 0 : i32
        %dma_wait3A_167 = arith.constant 0 : i32
        %dma_wait3A_168 = tpu.memref_slice %arg11[%dma_wait3A_166, %dma_wait3A_167] : memref<10000x128xf32, #tpu.memory_space<vmem_shared>> -> memref<10000x128xf32, #tpu.memory_space<vmem_shared>>
        tpu.wait_indirect_dma semaphore(%run_scoped3A : memref<!tpu.dma_semaphore, #tpu.memory_space<semaphore_mem>>) src(%arg17 : memref<128x128xf32, #tpu.memory_space<vmem>>) dst(%dma_wait3A_168 : memref<10000x128xf32, #tpu.memory_space<vmem_shared>>)
        tpu.yield
      }) : () -> ()
      %add3A_127 = arith.constant 2 : i32
      %add3A_128 = arith.addi %add3A_101, %add3A_127 : i32
      %lt3A_129 = arith.constant 78 : i32
      %lt3A_130 = arith.cmpi slt, %add3A_128, %lt3A_129 : i32
      %convert_element_type3A_131 = arith.extui %lt3A_130 : i1 to i32
      %cond3A_132 = arith.constant 0 : i32
      %cond3A_133 = arith.cmpi ne, %convert_element_type3A_131, %cond3A_132 : i32
      scf.if %cond3A_133 {
        %add3A_163 = arith.constant 2 : i32
        %add3A_164 = arith.addi %add3A_101, %add3A_163 : i32
        %mul3A_165 = arith.constant 128 : i32
        %mul3A_166 = arith.muli %add3A_164, %mul3A_165 : i32
        %add3A_167 = arith.addi %add3A_15, %mul3A_166 : i32
        %dma_start3A_168 = tpu.memref_slice %arg3[%add3A_167] : memref<320000xi32, #tpu.memory_space<hbm>> -> memref<128xi32, #tpu.memory_space<hbm>>
        %dma_start3A_169 = tpu.memref_slice %arg3[%add3A_167] : memref<320000xi32, #tpu.memory_space<hbm>> -> memref<128xi32, #tpu.memory_space<hbm>>
        tpu.enqueue_dma source(%dma_start3A_169 : memref<128xi32, #tpu.memory_space<hbm>>) target(%arg13 : memref<128xi32, #tpu.memory_space<vmem>>) target_semaphore(%arg26 : memref<!tpu.dma_semaphore, #tpu.memory_space<semaphore_mem>>)
        %mul3A_170 = arith.constant 128 : i32
        %mul3A_171 = arith.muli %add3A_164, %mul3A_170 : i32
        %add3A_172 = arith.addi %mul3A_12, %mul3A_171 : i32
        %dma_start3A_173 = tpu.memref_slice %arg4[%add3A_172] : memref<160000xi32, #tpu.memory_space<hbm>> -> memref<128xi32, #tpu.memory_space<hbm>>
        %dma_start3A_174 = tpu.memref_slice %arg4[%add3A_172] : memref<160000xi32, #tpu.memory_space<hbm>> -> memref<128xi32, #tpu.memory_space<hbm>>
        tpu.enqueue_dma source(%dma_start3A_174 : memref<128xi32, #tpu.memory_space<hbm>>) target(%arg15 : memref<128xi32, #tpu.memory_space<vmem>>) target_semaphore(%arg26 : memref<!tpu.dma_semaphore, #tpu.memory_space<semaphore_mem>>)
      } else {
      }
      %add3A_134 = arith.constant 1 : i32
      %add3A_135 = arith.addi %add3A_99, %add3A_134 : i32
      %add3A_136 = arith.constant 1 : i32
      %add3A_137 = arith.addi %add3A_135, %add3A_136 : i32
      %lt3A_138 = arith.constant 78 : i32
      %lt3A_139 = arith.cmpi slt, %add3A_137, %lt3A_138 : i32
      %convert_element_type3A_140 = arith.extui %lt3A_139 : i1 to i32
      %cond3A_141 = arith.constant 0 : i32
      %cond3A_142 = arith.cmpi ne, %convert_element_type3A_140, %cond3A_141 : i32
      scf.if %cond3A_142 {
        %dma_wait3A_163 = arith.constant 0 : i32
        %dma_wait3A_164 = tpu.memref_slice %arg3[%dma_wait3A_163] : memref<320000xi32, #tpu.memory_space<hbm>> -> memref<128xi32, #tpu.memory_space<hbm>>
        %dma_wait3A_165 = arith.constant 0 : i32
        %dma_wait3A_166 = tpu.memref_slice %arg3[%dma_wait3A_165] : memref<320000xi32, #tpu.memory_space<hbm>> -> memref<128xi32, #tpu.memory_space<hbm>>
        tpu.wait_dma2 semaphore(%arg26 : memref<!tpu.dma_semaphore, #tpu.memory_space<semaphore_mem>>) src(%dma_wait3A_166 : memref<128xi32, #tpu.memory_space<hbm>>) dst(%arg13 : memref<128xi32, #tpu.memory_space<vmem>>)
        %dma_wait3A_167 = arith.constant 0 : i32
        %dma_wait3A_168 = tpu.memref_slice %arg4[%dma_wait3A_167] : memref<160000xi32, #tpu.memory_space<hbm>> -> memref<128xi32, #tpu.memory_space<hbm>>
        %dma_wait3A_169 = arith.constant 0 : i32
        %dma_wait3A_170 = tpu.memref_slice %arg4[%dma_wait3A_169] : memref<160000xi32, #tpu.memory_space<hbm>> -> memref<128xi32, #tpu.memory_space<hbm>>
        tpu.wait_dma2 semaphore(%arg26 : memref<!tpu.dma_semaphore, #tpu.memory_space<semaphore_mem>>) src(%dma_wait3A_170 : memref<128xi32, #tpu.memory_space<hbm>>) dst(%arg15 : memref<128xi32, #tpu.memory_space<vmem>>)
        %add3A_171 = arith.constant 1 : i32
        %add3A_172 = arith.addi %add3A_135, %add3A_171 : i32
        %dma_start3A_173 = arith.constant 0 : i32
        %dma_start3A_174 = arith.constant 0 : i32
        %dma_start3A_175 = tpu.memref_slice %arg2[%dma_start3A_173, %dma_start3A_174] : memref<20000x128xf32, #tpu.memory_space<hbm>> -> memref<20000x128xf32, #tpu.memory_space<hbm>>
        tpu.enqueue_indirect_dma source(%dma_start3A_175 : memref<20000x128xf32, #tpu.memory_space<hbm>>) target(%arg17 : memref<128x128xf32, #tpu.memory_space<vmem>>) offsets(%arg13 : memref<128xi32, #tpu.memory_space<vmem>>) semaphore(%arg24 : memref<!tpu.dma_semaphore, #tpu.memory_space<semaphore_mem>>)
      } else {
      }
      %eq3A_143 = arith.constant 0 : i32
      %eq3A_144 = arith.cmpi eq, %arg0, %eq3A_143 : i32
      %lt3A_145 = arith.constant 39 : i32
      %lt3A_146 = arith.cmpi slt, %add3A_135, %lt3A_145 : i32
      %eq3A_147 = arith.xori %eq3A_144, %lt3A_146 : i1
      %eq3A_148 = arith.constant true
      %eq3A_149 = arith.xori %eq3A_147, %eq3A_148 : i1
      %convert_element_type3A_150 = arith.extui %eq3A_149 : i1 to i32
      %cond3A_151 = arith.constant 0 : i32
      %cond3A_152 = arith.cmpi ne, %convert_element_type3A_150, %cond3A_151 : i32
      scf.if %cond3A_152 {
        %scan3A_163 = arith.constant 0 : i32
        %scan3A_164 = arith.constant 8 : i32
        %scan3A_165 = arith.addi %scan3A_163, %scan3A_164 : i32
        %scan3A_166 = arith.constant 1 : i32
        scf.for %scan3A_168 = %scan3A_163 to %scan3A_165 step %scan3A_166  : i32 {
          %mul3A_169 = arith.constant 16 : i32
          %mul3A_170 = arith.muli %scan3A_168, %mul3A_169 : i32
          %add3A_171 = arith.constant 0 : i32
          %add3A_172 = arith.addi %add3A_171, %mul3A_170 : i32
          %get3A = arith.index_cast %add3A_172 : i32 to index
          %get3A_173 = tpu.vector_load %arg16[%get3A] {strides = array<i32>} : memref<128xi32, #tpu.memory_space<vmem>>, vector<16xi32>,
          %shift_right_logical3A = arith.constant 7 : i32
          %shift_right_logical3A_174 = vector.broadcast %shift_right_logical3A : i32 to vector<16xi32>
          %shift_right_logical3A_175 = arith.shrui %get3A_173, %shift_right_logical3A_174 : vector<16xi32>
          %and3A = arith.constant 127 : i32
          %and3A_176 = vector.broadcast %and3A : i32 to vector<16xi32>
          %and3A_177 = arith.andi %get3A_173, %and3A_176 : vector<16xi32>
          tpu.vector_store_idx %arg21[%shift_right_logical3A_175, %and3A_177], %broadcast_in_dim3A_33 {add = true} : memref<80x128xf32, #tpu.memory_space<vmem>>[vector<16xi32>, vector<16xi32>], vector<16xf32>,
        }
        %scan3A_167 = arith.constant 8 : i32
      } else {
      }
      %dma_wait3A_153 = arith.constant 0 : i32
      %dma_wait3A_154 = arith.constant 0 : i32
      %dma_wait3A_155 = tpu.memref_slice %arg2[%dma_wait3A_153, %dma_wait3A_154] : memref<20000x128xf32, #tpu.memory_space<hbm>> -> memref<20000x128xf32, #tpu.memory_space<hbm>>
      tpu.wait_indirect_dma semaphore(%arg25 : memref<!tpu.dma_semaphore, #tpu.memory_space<semaphore_mem>>) src(%dma_wait3A_155 : memref<20000x128xf32, #tpu.memory_space<hbm>>) dst(%arg18 : memref<128x128xf32, #tpu.memory_space<vmem>>)
      "tpu.region"() ({
        %run_scoped3A = tpu.sem_alloc : memref<!tpu.dma_semaphore, #tpu.memory_space<semaphore_mem>>
        %dma_start3A_163 = arith.constant 0 : i32
        %dma_start3A_164 = arith.constant 0 : i32
        %dma_start3A_165 = tpu.memref_slice %arg11[%dma_start3A_163, %dma_start3A_164] : memref<10000x128xf32, #tpu.memory_space<vmem_shared>> -> memref<10000x128xf32, #tpu.memory_space<vmem_shared>>
        tpu.enqueue_indirect_dma source(%arg18 : memref<128x128xf32, #tpu.memory_space<vmem>>) target(%dma_start3A_165 : memref<10000x128xf32, #tpu.memory_space<vmem_shared>>) offsets(%arg16 : memref<128xi32, #tpu.memory_space<vmem>>) semaphore(%run_scoped3A : memref<!tpu.dma_semaphore, #tpu.memory_space<semaphore_mem>>) {add = true}
        %dma_wait3A_166 = arith.constant 0 : i32
        %dma_wait3A_167 = arith.constant 0 : i32
        %dma_wait3A_168 = tpu.memref_slice %arg11[%dma_wait3A_166, %dma_wait3A_167] : memref<10000x128xf32, #tpu.memory_space<vmem_shared>> -> memref<10000x128xf32, #tpu.memory_space<vmem_shared>>
        tpu.wait_indirect_dma semaphore(%run_scoped3A : memref<!tpu.dma_semaphore, #tpu.memory_space<semaphore_mem>>) src(%arg18 : memref<128x128xf32, #tpu.memory_space<vmem>>) dst(%dma_wait3A_168 : memref<10000x128xf32, #tpu.memory_space<vmem_shared>>)
        tpu.yield
      }) : () -> ()
      %add3A_156 = arith.constant 2 : i32
      %add3A_157 = arith.addi %add3A_135, %add3A_156 : i32
      %lt3A_158 = arith.constant 78 : i32
      %lt3A_159 = arith.cmpi slt, %add3A_157, %lt3A_158 : i32
      %convert_element_type3A_160 = arith.extui %lt3A_159 : i1 to i32
      %cond3A_161 = arith.constant 0 : i32
      %cond3A_162 = arith.cmpi ne, %convert_element_type3A_160, %cond3A_161 : i32
      scf.if %cond3A_162 {
        %add3A_163 = arith.constant 2 : i32
        %add3A_164 = arith.addi %add3A_135, %add3A_163 : i32
        %mul3A_165 = arith.constant 128 : i32
        %mul3A_166 = arith.muli %add3A_164, %mul3A_165 : i32
        %add3A_167 = arith.addi %add3A_15, %mul3A_166 : i32
        %dma_start3A_168 = tpu.memref_slice %arg3[%add3A_167] : memref<320000xi32, #tpu.memory_space<hbm>> -> memref<128xi32, #tpu.memory_space<hbm>>
        %dma_start3A_169 = tpu.memref_slice %arg3[%add3A_167] : memref<320000xi32, #tpu.memory_space<hbm>> -> memref<128xi32, #tpu.memory_space<hbm>>
        tpu.enqueue_dma source(%dma_start3A_169 : memref<128xi32, #tpu.memory_space<hbm>>) target(%arg14 : memref<128xi32, #tpu.memory_space<vmem>>) target_semaphore(%arg27 : memref<!tpu.dma_semaphore, #tpu.memory_space<semaphore_mem>>)
        %mul3A_170 = arith.constant 128 : i32
        %mul3A_171 = arith.muli %add3A_164, %mul3A_170 : i32
        %add3A_172 = arith.addi %mul3A_12, %mul3A_171 : i32
        %dma_start3A_173 = tpu.memref_slice %arg4[%add3A_172] : memref<160000xi32, #tpu.memory_space<hbm>> -> memref<128xi32, #tpu.memory_space<hbm>>
        %dma_start3A_174 = tpu.memref_slice %arg4[%add3A_172] : memref<160000xi32, #tpu.memory_space<hbm>> -> memref<128xi32, #tpu.memory_space<hbm>>
        tpu.enqueue_dma source(%dma_start3A_174 : memref<128xi32, #tpu.memory_space<hbm>>) target(%arg16 : memref<128xi32, #tpu.memory_space<vmem>>) target_semaphore(%arg27 : memref<!tpu.dma_semaphore, #tpu.memory_space<semaphore_mem>>)
      } else {
      }
    }
    %scan3A_64 = arith.constant 39 : i32
    %add3A_65 = arith.constant 9984 : i32
    %add3A_66 = arith.addi %mul3A_12, %add3A_65 : i32
    "tpu.region"() ({
      %run_scoped3A = tpu.sem_alloc : memref<!tpu.dma_semaphore, #tpu.memory_space<semaphore_mem>>
      %dma_start3A_95 = tpu.memref_slice %arg4[%add3A_66] : memref<160000xi32, #tpu.memory_space<hbm>> -> memref<16xi32, #tpu.memory_space<hbm>>
      %dma_start3A_96 = tpu.memref_slice %arg4[%add3A_66] : memref<160000xi32, #tpu.memory_space<hbm>> -> memref<16xi32, #tpu.memory_space<hbm>>
      tpu.enqueue_dma source(%dma_start3A_96 : memref<16xi32, #tpu.memory_space<hbm>>) target(%arg19 : memref<16xi32, #tpu.memory_space<vmem>>) target_semaphore(%run_scoped3A : memref<!tpu.dma_semaphore, #tpu.memory_space<semaphore_mem>>)
      %dma_wait3A_97 = tpu.memref_slice %arg4[%add3A_66] : memref<160000xi32, #tpu.memory_space<hbm>> -> memref<16xi32, #tpu.memory_space<hbm>>
      %dma_wait3A_98 = tpu.memref_slice %arg4[%add3A_66] : memref<160000xi32, #tpu.memory_space<hbm>> -> memref<16xi32, #tpu.memory_space<hbm>>
      tpu.wait_dma2 semaphore(%run_scoped3A : memref<!tpu.dma_semaphore, #tpu.memory_space<semaphore_mem>>) src(%dma_wait3A_98 : memref<16xi32, #tpu.memory_space<hbm>>) dst(%arg19 : memref<16xi32, #tpu.memory_space<vmem>>)
      tpu.yield
    }) : () -> ()
    %add3A_67 = arith.constant 9984 : i32
    %add3A_68 = arith.addi %add3A_15, %add3A_67 : i32
    "tpu.region"() ({
      %run_scoped3A = tpu.sem_alloc : memref<!tpu.dma_semaphore, #tpu.memory_space<semaphore_mem>>
      %dma_start3A_95 = arith.constant 0 : i32
      %dma_start3A_96 = tpu.memref_slice %arg13[%dma_start3A_95] : memref<128xi32, #tpu.memory_space<vmem>> -> memref<16xi32, #tpu.memory_space<vmem>>
      %dma_start3A_97 = tpu.memref_slice %arg3[%add3A_68] : memref<320000xi32, #tpu.memory_space<hbm>> -> memref<16xi32, #tpu.memory_space<hbm>>
      %dma_start3A_98 = arith.constant 0 : i32
      %dma_start3A_99 = tpu.memref_slice %arg13[%dma_start3A_98] : memref<128xi32, #tpu.memory_space<vmem>> -> memref<16xi32, #tpu.memory_space<vmem>>
      %dma_start3A_100 = tpu.memref_slice %arg3[%add3A_68] : memref<320000xi32, #tpu.memory_space<hbm>> -> memref<16xi32, #tpu.memory_space<hbm>>
      tpu.enqueue_dma source(%dma_start3A_100 : memref<16xi32, #tpu.memory_space<hbm>>) target(%dma_start3A_99 : memref<16xi32, #tpu.memory_space<vmem>>) target_semaphore(%run_scoped3A : memref<!tpu.dma_semaphore, #tpu.memory_space<semaphore_mem>>)
      %dma_wait3A_101 = arith.constant 0 : i32
      %dma_wait3A_102 = tpu.memref_slice %arg13[%dma_wait3A_101] : memref<128xi32, #tpu.memory_space<vmem>> -> memref<16xi32, #tpu.memory_space<vmem>>
      %dma_wait3A_103 = tpu.memref_slice %arg3[%add3A_68] : memref<320000xi32, #tpu.memory_space<hbm>> -> memref<16xi32, #tpu.memory_space<hbm>>
      %dma_wait3A_104 = arith.constant 0 : i32
      %dma_wait3A_105 = tpu.memref_slice %arg13[%dma_wait3A_104] : memref<128xi32, #tpu.memory_space<vmem>> -> memref<16xi32, #tpu.memory_space<vmem>>
      %dma_wait3A_106 = tpu.memref_slice %arg3[%add3A_68] : memref<320000xi32, #tpu.memory_space<hbm>> -> memref<16xi32, #tpu.memory_space<hbm>>
      tpu.wait_dma2 semaphore(%run_scoped3A : memref<!tpu.dma_semaphore, #tpu.memory_space<semaphore_mem>>) src(%dma_wait3A_106 : memref<16xi32, #tpu.memory_space<hbm>>) dst(%dma_wait3A_105 : memref<16xi32, #tpu.memory_space<vmem>>)
      tpu.yield
    }) : () -> ()
    %dma_start3A_69 = arith.constant 0 : i32
    %dma_start3A_70 = tpu.memref_slice %arg13[%dma_start3A_69] : memref<128xi32, #tpu.memory_space<vmem>> -> memref<16xi32, #tpu.memory_space<vmem>>
    %dma_start3A_71 = arith.constant 0 : i32
    %dma_start3A_72 = arith.constant 0 : i32
    %dma_start3A_73 = tpu.memref_slice %arg2[%dma_start3A_71, %dma_start3A_72] : memref<20000x128xf32, #tpu.memory_space<hbm>> -> memref<20000x128xf32, #tpu.memory_space<hbm>>
    tpu.enqueue_indirect_dma source(%dma_start3A_73 : memref<20000x128xf32, #tpu.memory_space<hbm>>) target(%arg20 : memref<16x128xf32, #tpu.memory_space<vmem>>) offsets(%dma_start3A_70 : memref<16xi32, #tpu.memory_space<vmem>>) semaphore(%arg23 : memref<!tpu.dma_semaphore, #tpu.memory_space<semaphore_mem>>)
    %dma_wait3A_74 = arith.constant 0 : i32
    %dma_wait3A_75 = tpu.memref_slice %arg13[%dma_wait3A_74] : memref<128xi32, #tpu.memory_space<vmem>> -> memref<16xi32, #tpu.memory_space<vmem>>
    %dma_wait3A_76 = arith.constant 0 : i32
    %dma_wait3A_77 = arith.constant 0 : i32
    %dma_wait3A_78 = tpu.memref_slice %arg2[%dma_wait3A_76, %dma_wait3A_77] : memref<20000x128xf32, #tpu.memory_space<hbm>> -> memref<20000x128xf32, #tpu.memory_space<hbm>>
    tpu.wait_indirect_dma semaphore(%arg23 : memref<!tpu.dma_semaphore, #tpu.memory_space<semaphore_mem>>) src(%dma_wait3A_78 : memref<20000x128xf32, #tpu.memory_space<hbm>>) dst(%arg20 : memref<16x128xf32, #tpu.memory_space<vmem>>)
    "tpu.region"() ({
      %run_scoped3A = tpu.sem_alloc : memref<!tpu.dma_semaphore, #tpu.memory_space<semaphore_mem>>
      %dma_start3A_95 = arith.constant 0 : i32
      %dma_start3A_96 = arith.constant 0 : i32
      %dma_start3A_97 = tpu.memref_slice %arg11[%dma_start3A_95, %dma_start3A_96] : memref<10000x128xf32, #tpu.memory_space<vmem_shared>> -> memref<10000x128xf32, #tpu.memory_space<vmem_shared>>
      tpu.enqueue_indirect_dma source(%arg20 : memref<16x128xf32, #tpu.memory_space<vmem>>) target(%dma_start3A_97 : memref<10000x128xf32, #tpu.memory_space<vmem_shared>>) offsets(%arg19 : memref<16xi32, #tpu.memory_space<vmem>>) semaphore(%run_scoped3A : memref<!tpu.dma_semaphore, #tpu.memory_space<semaphore_mem>>) {add = true}
      %dma_wait3A_98 = arith.constant 0 : i32
      %dma_wait3A_99 = arith.constant 0 : i32
      %dma_wait3A_100 = tpu.memref_slice %arg11[%dma_wait3A_98, %dma_wait3A_99] : memref<10000x128xf32, #tpu.memory_space<vmem_shared>> -> memref<10000x128xf32, #tpu.memory_space<vmem_shared>>
      tpu.wait_indirect_dma semaphore(%run_scoped3A : memref<!tpu.dma_semaphore, #tpu.memory_space<semaphore_mem>>) src(%arg20 : memref<16x128xf32, #tpu.memory_space<vmem>>) dst(%dma_wait3A_100 : memref<10000x128xf32, #tpu.memory_space<vmem_shared>>)
      tpu.yield
    }) : () -> ()
    %eq3A_79 = arith.constant 1 : i32
    %eq3A_80 = arith.cmpi eq, %arg0, %eq3A_79 : i32
    %convert_element_type3A_81 = arith.extui %eq3A_80 : i1 to i32
    %cond3A_82 = arith.constant 0 : i32
    %cond3A_83 = arith.cmpi ne, %convert_element_type3A_81, %cond3A_82 : i32
    scf.if %cond3A_83 {
      %scan3A_95 = arith.constant 0 : i32
      %mul3A_96 = arith.constant 16 : i32
      %mul3A_97 = arith.muli %scan3A_95, %mul3A_96 : i32
      %add3A_98 = arith.constant 0 : i32
      %add3A_99 = arith.addi %add3A_98, %mul3A_97 : i32
      %get3A = arith.index_cast %add3A_99 : i32 to index
      %get3A_100 = tpu.vector_load %arg19[%get3A] {strides = array<i32>} : memref<16xi32, #tpu.memory_space<vmem>>, vector<16xi32>,
      %shift_right_logical3A = arith.constant 7 : i32
      %shift_right_logical3A_101 = vector.broadcast %shift_right_logical3A : i32 to vector<16xi32>
      %shift_right_logical3A_102 = arith.shrui %get3A_100, %shift_right_logical3A_101 : vector<16xi32>
      %and3A = arith.constant 127 : i32
      %and3A_103 = vector.broadcast %and3A : i32 to vector<16xi32>
      %and3A_104 = arith.andi %get3A_100, %and3A_103 : vector<16xi32>
      tpu.vector_store_idx %arg21[%shift_right_logical3A_102, %and3A_104], %broadcast_in_dim3A_33 {add = true} : memref<80x128xf32, #tpu.memory_space<vmem>>[vector<16xi32>, vector<16xi32>], vector<16xf32>,
      %scan3A_105 = arith.constant 1 : i32
    } else {
    }
    "tpu.region"() ({
      %run_scoped3A = tpu.sem_alloc : memref<!tpu.dma_semaphore, #tpu.memory_space<semaphore_mem>>
      %dma_start3A_95 = arith.constant 0 : i32
      %dma_start3A_96 = arith.constant 0 : i32
      %dma_start3A_97 = tpu.memref_slice %arg12[%dma_start3A_95, %dma_start3A_96] : memref<80x128xf32, #tpu.memory_space<vmem_shared>> -> memref<80x128xf32, #tpu.memory_space<vmem_shared>>
      tpu.enqueue_indirect_dma source(%arg21 : memref<80x128xf32, #tpu.memory_space<vmem>>) target(%dma_start3A_97 : memref<80x128xf32, #tpu.memory_space<vmem_shared>>) offsets(%arg22 : memref<80xi32, #tpu.memory_space<vmem>>) semaphore(%run_scoped3A : memref<!tpu.dma_semaphore, #tpu.memory_space<semaphore_mem>>) {add = true}
      %dma_wait3A_98 = arith.constant 0 : i32
      %dma_wait3A_99 = arith.constant 0 : i32
      %dma_wait3A_100 = tpu.memref_slice %arg12[%dma_wait3A_98, %dma_wait3A_99] : memref<80x128xf32, #tpu.memory_space<vmem_shared>> -> memref<80x128xf32, #tpu.memory_space<vmem_shared>>
      tpu.wait_indirect_dma semaphore(%run_scoped3A : memref<!tpu.dma_semaphore, #tpu.memory_space<semaphore_mem>>) src(%arg21 : memref<80x128xf32, #tpu.memory_space<vmem>>) dst(%dma_wait3A_100 : memref<80x128xf32, #tpu.memory_space<vmem_shared>>)
      tpu.yield
    }) : () -> ()
    %barrier3A_84 = arith.constant 0 : index
    tpu.barrier barrier_id(%barrier3A_84)
    %eq3A_85 = arith.constant 0 : i32
    %eq3A_86 = arith.cmpi eq, %arg0, %eq3A_85 : i32
    %convert_element_type3A_87 = arith.extui %eq3A_86 : i1 to i32
    %cond3A_88 = arith.constant 0 : i32
    %cond3A_89 = arith.cmpi ne, %convert_element_type3A_87, %cond3A_88 : i32
    scf.if %cond3A_89 {
      %eq3A_95 = arith.constant 0 : i32
      %eq3A_96 = arith.cmpi eq, %arg1, %eq3A_95 : i32
      %convert_element_type3A_97 = arith.extui %eq3A_96 : i1 to i32
      %cond3A_98 = arith.constant 0 : i32
      %cond3A_99 = arith.cmpi ne, %convert_element_type3A_97, %cond3A_98 : i32
      scf.if %cond3A_99 {
        "tpu.region"() ({
          %run_scoped3A = tpu.sem_alloc : memref<!tpu.dma_semaphore, #tpu.memory_space<semaphore_mem>>
          tpu.enqueue_dma source(%arg12 : memref<80x128xf32, #tpu.memory_space<vmem_shared>>) target(%arg9 : memref<80x128xf32, #tpu.memory_space<hbm>>) target_semaphore(%run_scoped3A : memref<!tpu.dma_semaphore, #tpu.memory_space<semaphore_mem>>)
          tpu.wait_dma2 semaphore(%run_scoped3A : memref<!tpu.dma_semaphore, #tpu.memory_space<semaphore_mem>>) src(%arg12 : memref<80x128xf32, #tpu.memory_space<vmem_shared>>) dst(%arg9 : memref<80x128xf32, #tpu.memory_space<hbm>>)
          tpu.yield
        }) : () -> ()
      } else {
      }
      "tpu.region"() ({
        %run_scoped3A = tpu.sem_alloc : memref<!tpu.dma_semaphore, #tpu.memory_space<semaphore_mem>>
        %dma_start3A_105 = arith.constant 0 : i32
        %dma_start3A_106 = tpu.memref_slice %arg7[%mul3A_0, %dma_start3A_105] : memref<10000x128xf32, #tpu.memory_space<hbm>> -> memref<624x128xf32, #tpu.memory_space<hbm>>
        %dma_start3A_107 = arith.constant 0 : i32
        %dma_start3A_108 = tpu.memref_slice %arg11[%mul3A_0, %dma_start3A_107] : memref<10000x128xf32, #tpu.memory_space<vmem_shared>> -> memref<624x128xf32, #tpu.memory_space<vmem_shared>>
        tpu.enqueue_dma source(%dma_start3A_108 : memref<624x128xf32, #tpu.memory_space<vmem_shared>>) target(%dma_start3A_106 : memref<624x128xf32, #tpu.memory_space<hbm>>) target_semaphore(%run_scoped3A : memref<!tpu.dma_semaphore, #tpu.memory_space<semaphore_mem>>)
        %dma_wait3A_109 = arith.constant 0 : i32
        %dma_wait3A_110 = tpu.memref_slice %arg7[%mul3A_0, %dma_wait3A_109] : memref<10000x128xf32, #tpu.memory_space<hbm>> -> memref<624x128xf32, #tpu.memory_space<hbm>>
        %dma_wait3A_111 = arith.constant 0 : i32
        %dma_wait3A_112 = tpu.memref_slice %arg11[%mul3A_0, %dma_wait3A_111] : memref<10000x128xf32, #tpu.memory_space<vmem_shared>> -> memref<624x128xf32, #tpu.memory_space<vmem_shared>>
        tpu.wait_dma2 semaphore(%run_scoped3A : memref<!tpu.dma_semaphore, #tpu.memory_space<semaphore_mem>>) src(%dma_wait3A_112 : memref<624x128xf32, #tpu.memory_space<vmem_shared>>) dst(%dma_wait3A_110 : memref<624x128xf32, #tpu.memory_space<hbm>>)
        tpu.yield
      }) : () -> ()
      %eq3A_100 = arith.constant 15 : i32
      %eq3A_101 = arith.cmpi eq, %arg1, %eq3A_100 : i32
      %convert_element_type3A_102 = arith.extui %eq3A_101 : i1 to i32
      %cond3A_103 = arith.constant 0 : i32
      %cond3A_104 = arith.cmpi ne, %convert_element_type3A_102, %cond3A_103 : i32
      scf.if %cond3A_104 {
        "tpu.region"() ({
          %run_scoped3A = tpu.sem_alloc : memref<!tpu.dma_semaphore, #tpu.memory_space<semaphore_mem>>
          %dma_start3A_105 = arith.constant 9984 : i32
          %dma_start3A_106 = arith.constant 0 : i32
          %dma_start3A_107 = tpu.memref_slice %arg7[%dma_start3A_105, %dma_start3A_106] : memref<10000x128xf32, #tpu.memory_space<hbm>> -> memref<16x128xf32, #tpu.memory_space<hbm>>
          %dma_start3A_108 = arith.constant 9984 : i32
          %dma_start3A_109 = arith.constant 0 : i32
          %dma_start3A_110 = tpu.memref_slice %arg11[%dma_start3A_108, %dma_start3A_109] : memref<10000x128xf32, #tpu.memory_space<vmem_shared>> -> memref<16x128xf32, #tpu.memory_space<vmem_shared>>
          tpu.enqueue_dma source(%dma_start3A_110 : memref<16x128xf32, #tpu.memory_space<vmem_shared>>) target(%dma_start3A_107 : memref<16x128xf32, #tpu.memory_space<hbm>>) target_semaphore(%run_scoped3A : memref<!tpu.dma_semaphore, #tpu.memory_space<semaphore_mem>>)
          %dma_wait3A_111 = arith.constant 9984 : i32
          %dma_wait3A_112 = arith.constant 0 : i32
          %dma_wait3A_113 = tpu.memref_slice %arg7[%dma_wait3A_111, %dma_wait3A_112] : memref<10000x128xf32, #tpu.memory_space<hbm>> -> memref<16x128xf32, #tpu.memory_space<hbm>>
          %dma_wait3A_114 = arith.constant 9984 : i32
          %dma_wait3A_115 = arith.constant 0 : i32
          %dma_wait3A_116 = tpu.memref_slice %arg11[%dma_wait3A_114, %dma_wait3A_115] : memref<10000x128xf32, #tpu.memory_space<vmem_shared>> -> memref<16x128xf32, #tpu.memory_space<vmem_shared>>
          tpu.wait_dma2 semaphore(%run_scoped3A : memref<!tpu.dma_semaphore, #tpu.memory_space<semaphore_mem>>) src(%dma_wait3A_116 : memref<16x128xf32, #tpu.memory_space<vmem_shared>>) dst(%dma_wait3A_113 : memref<16x128xf32, #tpu.memory_space<hbm>>)
          tpu.yield
        }) : () -> ()
      } else {
      }
    } else {
    }
    %eq3A_90 = arith.constant 1 : i32
    %eq3A_91 = arith.cmpi eq, %arg0, %eq3A_90 : i32
    %convert_element_type3A_92 = arith.extui %eq3A_91 : i1 to i32
    %cond3A_93 = arith.constant 0 : i32
    %cond3A_94 = arith.cmpi ne, %convert_element_type3A_92, %cond3A_93 : i32
    scf.if %cond3A_94 {
      %eq3A_95 = arith.constant 0 : i32
      %eq3A_96 = arith.cmpi eq, %arg1, %eq3A_95 : i32
      %convert_element_type3A_97 = arith.extui %eq3A_96 : i1 to i32
      %cond3A_98 = arith.constant 0 : i32
      %cond3A_99 = arith.cmpi ne, %convert_element_type3A_97, %cond3A_98 : i32
      scf.if %cond3A_99 {
        "tpu.region"() ({
          %run_scoped3A = tpu.sem_alloc : memref<!tpu.dma_semaphore, #tpu.memory_space<semaphore_mem>>
          tpu.enqueue_dma source(%arg12 : memref<80x128xf32, #tpu.memory_space<vmem_shared>>) target(%arg10 : memref<80x128xf32, #tpu.memory_space<hbm>>) target_semaphore(%run_scoped3A : memref<!tpu.dma_semaphore, #tpu.memory_space<semaphore_mem>>)
          tpu.wait_dma2 semaphore(%run_scoped3A : memref<!tpu.dma_semaphore, #tpu.memory_space<semaphore_mem>>) src(%arg12 : memref<80x128xf32, #tpu.memory_space<vmem_shared>>) dst(%arg10 : memref<80x128xf32, #tpu.memory_space<hbm>>)
          tpu.yield
        }) : () -> ()
      } else {
      }
      "tpu.region"() ({
        %run_scoped3A = tpu.sem_alloc : memref<!tpu.dma_semaphore, #tpu.memory_space<semaphore_mem>>
        %dma_start3A_105 = arith.constant 0 : i32
        %dma_start3A_106 = tpu.memref_slice %arg8[%mul3A_0, %dma_start3A_105] : memref<10000x128xf32, #tpu.memory_space<hbm>> -> memref<624x128xf32, #tpu.memory_space<hbm>>
        %dma_start3A_107 = arith.constant 0 : i32
        %dma_start3A_108 = tpu.memref_slice %arg11[%mul3A_0, %dma_start3A_107] : memref<10000x128xf32, #tpu.memory_space<vmem_shared>> -> memref<624x128xf32, #tpu.memory_space<vmem_shared>>
        tpu.enqueue_dma source(%dma_start3A_108 : memref<624x128xf32, #tpu.memory_space<vmem_shared>>) target(%dma_start3A_106 : memref<624x128xf32, #tpu.memory_space<hbm>>) target_semaphore(%run_scoped3A : memref<!tpu.dma_semaphore, #tpu.memory_space<semaphore_mem>>)
        %dma_wait3A_109 = arith.constant 0 : i32
        %dma_wait3A_110 = tpu.memref_slice %arg8[%mul3A_0, %dma_wait3A_109] : memref<10000x128xf32, #tpu.memory_space<hbm>> -> memref<624x128xf32, #tpu.memory_space<hbm>>
        %dma_wait3A_111 = arith.constant 0 : i32
        %dma_wait3A_112 = tpu.memref_slice %arg11[%mul3A_0, %dma_wait3A_111] : memref<10000x128xf32, #tpu.memory_space<vmem_shared>> -> memref<624x128xf32, #tpu.memory_space<vmem_shared>>
        tpu.wait_dma2 semaphore(%run_scoped3A : memref<!tpu.dma_semaphore, #tpu.memory_space<semaphore_mem>>) src(%dma_wait3A_112 : memref<624x128xf32, #tpu.memory_space<vmem_shared>>) dst(%dma_wait3A_110 : memref<624x128xf32, #tpu.memory_space<hbm>>)
        tpu.yield
      }) : () -> ()
      %eq3A_100 = arith.constant 15 : i32
      %eq3A_101 = arith.cmpi eq, %arg1, %eq3A_100 : i32
      %convert_element_type3A_102 = arith.extui %eq3A_101 : i1 to i32
      %cond3A_103 = arith.constant 0 : i32
      %cond3A_104 = arith.cmpi ne, %convert_element_type3A_102, %cond3A_103 : i32
      scf.if %cond3A_104 {
        "tpu.region"() ({
          %run_scoped3A = tpu.sem_alloc : memref<!tpu.dma_semaphore, #tpu.memory_space<semaphore_mem>>
          %dma_start3A_105 = arith.constant 9984 : i32
          %dma_start3A_106 = arith.constant 0 : i32
          %dma_start3A_107 = tpu.memref_slice %arg8[%dma_start3A_105, %dma_start3A_106] : memref<10000x128xf32, #tpu.memory_space<hbm>> -> memref<16x128xf32, #tpu.memory_space<hbm>>
          %dma_start3A_108 = arith.constant 9984 : i32
          %dma_start3A_109 = arith.constant 0 : i32
          %dma_start3A_110 = tpu.memref_slice %arg11[%dma_start3A_108, %dma_start3A_109] : memref<10000x128xf32, #tpu.memory_space<vmem_shared>> -> memref<16x128xf32, #tpu.memory_space<vmem_shared>>
          tpu.enqueue_dma source(%dma_start3A_110 : memref<16x128xf32, #tpu.memory_space<vmem_shared>>) target(%dma_start3A_107 : memref<16x128xf32, #tpu.memory_space<hbm>>) target_semaphore(%run_scoped3A : memref<!tpu.dma_semaphore, #tpu.memory_space<semaphore_mem>>)
          %dma_wait3A_111 = arith.constant 9984 : i32
          %dma_wait3A_112 = arith.constant 0 : i32
          %dma_wait3A_113 = tpu.memref_slice %arg8[%dma_wait3A_111, %dma_wait3A_112] : memref<10000x128xf32, #tpu.memory_space<hbm>> -> memref<16x128xf32, #tpu.memory_space<hbm>>
          %dma_wait3A_114 = arith.constant 9984 : i32
          %dma_wait3A_115 = arith.constant 0 : i32
          %dma_wait3A_116 = tpu.memref_slice %arg11[%dma_wait3A_114, %dma_wait3A_115] : memref<10000x128xf32, #tpu.memory_space<vmem_shared>> -> memref<16x128xf32, #tpu.memory_space<vmem_shared>>
          tpu.wait_dma2 semaphore(%run_scoped3A : memref<!tpu.dma_semaphore, #tpu.memory_space<semaphore_mem>>) src(%dma_wait3A_116 : memref<16x128xf32, #tpu.memory_space<vmem_shared>>) dst(%dma_wait3A_113 : memref<16x128xf32, #tpu.memory_space<hbm>>)
          tpu.yield
        }) : () -> ()
      } else {
      }
    } else {
    }
    return
  }
}

module attributes {stable_mosaic.version = 14 : i64} {
  func.func @_tc_body(%arg0: i32, %arg1: memref<1000x128xf32, #tpu.memory_space<vmem>>, %arg2: memref<1000x128xf32, #tpu.memory_space<vmem>>, %arg3: memref<1000x1xf32, #tpu.memory_space<vmem>>, %arg4: memref<1000x1xf32, #tpu.memory_space<vmem>>, %arg5: memref<256x256xf32, #tpu.memory_space<vmem>>, %arg6: memref<1x256xf32, #tpu.memory_space<vmem>>, %arg7: memref<1x256xf32, #tpu.memory_space<vmem>>, %arg8: memref<1x256xf32, #tpu.memory_space<vmem>>, %arg9: memref<1000x256xf32, #tpu.memory_space<vmem>>) attributes {dimension_semantics = [#tpu.dimension_semantics<arbitrary>], iteration_bounds = array<i64: 10>, scalar_prefetch = 0 : i64, scratch_operands = 0 : i64, tpu.core_type = #tpu.core_type<tc>, window_params = [{transform_indices = @transform_0, window_bounds = array<i64: 1000, 128>}, {transform_indices = @transform_1, window_bounds = array<i64: 1000, 128>}, {transform_indices = @transform_2, window_bounds = array<i64: 1000, 1>}, {transform_indices = @transform_3, window_bounds = array<i64: 1000, 1>}, {pipeline_mode = #tpu.pipeline_mode<synchronous>, transform_indices = @transform_4, window_bounds = array<i64: 256, 256>}, {pipeline_mode = #tpu.pipeline_mode<synchronous>, transform_indices = @transform_5, window_bounds = array<i64: 1, 256>}, {pipeline_mode = #tpu.pipeline_mode<synchronous>, transform_indices = @transform_6, window_bounds = array<i64: 1, 256>}, {pipeline_mode = #tpu.pipeline_mode<synchronous>, transform_indices = @transform_7, window_bounds = array<i64: 1, 256>}, {transform_indices = @transform_8, window_bounds = array<i64: 1000, 256>}]} {
    %get3A = arith.constant 0 : index
    %get3A_0 = arith.constant 0 : index
    %get3A_1 = vector.load %arg3[%get3A, %get3A_0] : memref<1000x1xf32, #tpu.memory_space<vmem>>, vector<1000x1xf32>
    %get3A_2 = arith.constant 0 : index
    %get3A_3 = arith.constant 0 : index
    %get3A_4 = vector.load %arg4[%get3A_2, %get3A_3] : memref<1000x1xf32, #tpu.memory_space<vmem>>, vector<1000x1xf32>
    %add3A = arith.addf %get3A_1, %get3A_4 : vector<1000x1xf32>
    %add3A_5 = arith.constant 1.000000e+00 : f32
    %add3A_6 = vector.broadcast %add3A_5 : f32 to vector<1000x1xf32>
    %add3A_7 = arith.addf %add3A, %add3A_6 : vector<1000x1xf32>
    %get3A_8 = arith.constant 0 : index
    %get3A_9 = arith.constant 0 : index
    %get3A_10 = vector.load %arg1[%get3A_8, %get3A_9] : memref<1000x128xf32, #tpu.memory_space<vmem>>, vector<1000x128xf32>
    %get3A_11 = arith.constant 0 : index
    %get3A_12 = arith.constant 0 : index
    %get3A_13 = vector.load %arg2[%get3A_11, %get3A_12] : memref<1000x128xf32, #tpu.memory_space<vmem>>, vector<1000x128xf32>
    %concatenate3A = tpu.concatenate %get3A_10, %get3A_13 in 1 : vector<1000x128xf32>, vector<1000x128xf32> -> vector<1000x256xf32>
    %div3A = vector.broadcast %add3A_7 : vector<1000x1xf32> to vector<1000x256xf32>
    %div3A_14 = arith.divf %concatenate3A, %div3A : vector<1000x256xf32>
    %get3A_15 = arith.constant 0 : index
    %get3A_16 = arith.constant 0 : index
    %get3A_17 = vector.load %arg5[%get3A_15, %get3A_16] : memref<256x256xf32, #tpu.memory_space<vmem>>, vector<256x256xf32>
    %dot_general3A = arith.constant dense<0.000000e+00> : vector<1000x256xf32>
    %dot_general3A_18 = tpu.matmul %div3A_14, %get3A_17, %dot_general3A {dimension_numbers = #tpu.dot_dimension_numbers<[1], [1], [0], [0], [0, 0, 1, 0], [], []>, transpose_lhs_hint = false} : vector<1000x256xf32>, vector<256x256xf32>, vector<1000x256xf32> -> vector<1000x256xf32>
    %get3A_19 = arith.constant 0 : index
    %get3A_20 = arith.constant 0 : index
    %get3A_21 = vector.load %arg6[%get3A_19, %get3A_20] : memref<1x256xf32, #tpu.memory_space<vmem>>, vector<1x256xf32>
    %add3A_22 = vector.broadcast %get3A_21 : vector<1x256xf32> to vector<1000x256xf32>
    %add3A_23 = arith.addf %dot_general3A_18, %add3A_22 : vector<1000x256xf32>
    %reduce_sum3A = arith.constant dense<0.000000e+00> : vector<1000xf32>
    %reduce_sum3A_24 = vector.multi_reduction <add>, %add3A_23, %reduce_sum3A [1] : vector<1000x256xf32> to vector<1000xf32>
    %broadcast_in_dim3A = vector.shape_cast %reduce_sum3A_24 : vector<1000xf32> to vector<1000x1xf32>
    %div3A_25 = arith.constant 2.560000e+02 : f32
    %div3A_26 = vector.broadcast %div3A_25 : f32 to vector<1000x1xf32>
    %div3A_27 = arith.divf %broadcast_in_dim3A, %div3A_26 : vector<1000x1xf32>
    %sub3A = vector.broadcast %div3A_27 : vector<1000x1xf32> to vector<1000x256xf32>
    %sub3A_28 = arith.subf %add3A_23, %sub3A : vector<1000x256xf32>
    %integer_pow3A = arith.mulf %sub3A_28, %sub3A_28 : vector<1000x256xf32>
    %reduce_sum3A_29 = arith.constant dense<0.000000e+00> : vector<1000xf32>
    %reduce_sum3A_30 = vector.multi_reduction <add>, %integer_pow3A, %reduce_sum3A_29 [1] : vector<1000x256xf32> to vector<1000xf32>
    %broadcast_in_dim3A_31 = vector.shape_cast %reduce_sum3A_30 : vector<1000xf32> to vector<1000x1xf32>
    %div3A_32 = arith.constant 2.560000e+02 : f32
    %div3A_33 = vector.broadcast %div3A_32 : f32 to vector<1000x1xf32>
    %div3A_34 = arith.divf %broadcast_in_dim3A_31, %div3A_33 : vector<1000x1xf32>
    %sub3A_35 = vector.broadcast %div3A_27 : vector<1000x1xf32> to vector<1000x256xf32>
    %sub3A_36 = arith.subf %add3A_23, %sub3A_35 : vector<1000x256xf32>
    %add3A_37 = arith.constant 9.99999974E-6 : f32
    %add3A_38 = vector.broadcast %add3A_37 : f32 to vector<1000x1xf32>
    %add3A_39 = arith.addf %div3A_34, %add3A_38 : vector<1000x1xf32>
    %rsqrt3A = math.rsqrt %add3A_39 : vector<1000x1xf32>
    %mul3A = vector.broadcast %rsqrt3A : vector<1000x1xf32> to vector<1000x256xf32>
    %mul3A_40 = arith.mulf %sub3A_36, %mul3A : vector<1000x256xf32>
    %get3A_41 = arith.constant 0 : index
    %get3A_42 = arith.constant 0 : index
    %get3A_43 = vector.load %arg7[%get3A_41, %get3A_42] : memref<1x256xf32, #tpu.memory_space<vmem>>, vector<1x256xf32>
    %mul3A_44 = vector.broadcast %get3A_43 : vector<1x256xf32> to vector<1000x256xf32>
    %mul3A_45 = arith.mulf %mul3A_40, %mul3A_44 : vector<1000x256xf32>
    %get3A_46 = arith.constant 0 : index
    %get3A_47 = arith.constant 0 : index
    %get3A_48 = vector.load %arg8[%get3A_46, %get3A_47] : memref<1x256xf32, #tpu.memory_space<vmem>>, vector<1x256xf32>
    %add3A_49 = vector.broadcast %get3A_48 : vector<1x256xf32> to vector<1000x256xf32>
    %add3A_50 = arith.addf %mul3A_45, %add3A_49 : vector<1000x256xf32>
    %max3A = arith.constant 0.000000e+00 : f32
    %max3A_51 = vector.broadcast %max3A : f32 to vector<1000x256xf32>
    %max3A_52 = arith.maximumf %add3A_50, %max3A_51 : vector<1000x256xf32>
    %swap3A = arith.constant 0 : index
    %swap3A_53 = arith.constant 0 : index
    %swap3A_54 = vector.load %arg9[%swap3A, %swap3A_53] : memref<1000x256xf32, #tpu.memory_space<vmem>>, vector<1000x256xf32>
    tpu.vector_store %arg9[%swap3A, %swap3A_53], %max3A_52 {strides = array<i32>} : memref<1000x256xf32, #tpu.memory_space<vmem>>, vector<1000x256xf32>,
    return
  }
  func.func @transform_0(%arg0: i32) -> (i32, i32) {
    %c0_i32 = arith.constant 0 : i32
    %c0_i32_0 = arith.constant 0 : i32
    return %arg0, %c0_i32 : i32, i32
  }
  func.func @transform_1(%arg0: i32) -> (i32, i32) {
    %c0_i32 = arith.constant 0 : i32
    %c0_i32_0 = arith.constant 0 : i32
    return %arg0, %c0_i32 : i32, i32
  }
  func.func @transform_2(%arg0: i32) -> (i32, i32) {
    %c0_i32 = arith.constant 0 : i32
    %c0_i32_0 = arith.constant 0 : i32
    return %arg0, %c0_i32 : i32, i32
  }
  func.func @transform_3(%arg0: i32) -> (i32, i32) {
    %c0_i32 = arith.constant 0 : i32
    %c0_i32_0 = arith.constant 0 : i32
    return %arg0, %c0_i32 : i32, i32
  }
  func.func @transform_4(%arg0: i32) -> (i32, i32) {
    %c0_i32 = arith.constant 0 : i32
    %c0_i32_0 = arith.constant 0 : i32
    %c0_i32_1 = arith.constant 0 : i32
    return %c0_i32, %c0_i32_0 : i32, i32
  }
  func.func @transform_5(%arg0: i32) -> (i32, i32) {
    %c0_i32 = arith.constant 0 : i32
    %c0_i32_0 = arith.constant 0 : i32
    %c0_i32_1 = arith.constant 0 : i32
    return %c0_i32, %c0_i32_0 : i32, i32
  }
  func.func @transform_6(%arg0: i32) -> (i32, i32) {
    %c0_i32 = arith.constant 0 : i32
    %c0_i32_0 = arith.constant 0 : i32
    %c0_i32_1 = arith.constant 0 : i32
    return %c0_i32, %c0_i32_0 : i32, i32
  }
  func.func @transform_7(%arg0: i32) -> (i32, i32) {
    %c0_i32 = arith.constant 0 : i32
    %c0_i32_0 = arith.constant 0 : i32
    %c0_i32_1 = arith.constant 0 : i32
    return %c0_i32, %c0_i32_0 : i32, i32
  }
  func.func @transform_8(%arg0: i32) -> (i32, i32) {
    %c0_i32 = arith.constant 0 : i32
    %c0_i32_0 = arith.constant 0 : i32
    return %arg0, %c0_i32 : i32, i32
  }
}

</mosaic_0001>

<sc_bundles>
// kernel: kernel.4.cloned.1.call-start
scs
__scs_entry_jumppad:
0x0: {  	(pc) =	sbr.rel $0x88, $3  }
0x1: {  	(tag) =	ssettag $0x0;
	lr =	simm.s32 $0x1  }
0x2: {  	[smem:$0x3F9B] =	sst lr;
	_ =	strace $0xD0000000  }
0x3: {  	_ = 	snop  }
0x4: {  	_ = 	snop  }
0x5: {  	_ = 	snop  }
0x6: {  	_ = 	snop  }
0x7: {  	_ = 	snop  }
__scs_overlays_trampoline_lowered:
0x8: {  	[smem:$0x3FAA] =	sst s0  }
0x9: {  	[smem:$0x3FAB] =	sst s1  }
0xa: {  	[smem:$0x3FAC] =	sst s2  }
0xb: {  	[smem:$0x3FAD] =	sst s3  }
0xc: {  	[smem:$0x3FAE] =	sst s4  }
0xd: {  	[smem:$0x3FAF] =	sst s5  }
0xe: {  	[smem:$0x3FB0] =	sst s6  }
0xf: {  	[smem:$0x3FB1] =	sst s7  }
0x10: {  	[smem:$0x3FB2] =	sst s8  }
0x11: {  	[smem:$0x3FB3] =	sst s9;
	s0 =	simm.s32 @!p0 $0x0  }
0x12: {  	s1 =	sld [smem:$0x3F99];
	s0 =	simm.s32 @p0 $0x1  }
0x13: {  	[smem:$0x3FB4] =	sst s0;
	s0 =	simm.s32 @!p1 $0x0  }
0x14: {  	s2 =	sld [smem:$0x3F98];
	s0 =	simm.s32 @p1 $0x1  }
0x15: {  	[smem:$0x3FB5] =	sst s0;
	s0 =	simm.s32 @!p2 $0x0  }
0x16: {  	s3 =	sld [smem:$0x3FDB];
	s0 =	simm.s32 @p2 $0x1  }
0x17: {  	s4 =	simm.s32 $0x1BF5;
	[smem:$0x3FB7] =	sst s0  }
0x18: {  	s0 =	sld [smem:$0x3F9A];
	_ =	swait.ge [sflag:s4], $0x0  }
0x19: {  	s7 =	sld [smem:$0x3F9B]  }
0x1a: {  	s8 =	sadd.s32 $0xFFFFE003, lr  }
0x1b: {  	s9 =	sadd.s32 $0xFFFFFEF7, lr;
	s5 =	simm.s32 $0xFFFFFFFF;
	p2 =	slt.u32 s8, $0xFFFFF086  }
0x1c: {  	p1 =	slt.u32 s9, $0xF7A;
	s5 =	simm.s32 @!p2 $0x0  }
0x1d: {  	s5 =	simm.s32 @p1 $0x1;
	p0 =	seq.s32 s7, s2  }
0x1e: {  	s7 =	smul.u32 @!p0 $0xF7A, s2;
	p2 =	seq.s32 @!p0 s5, $0x0  }
0x1f: {  	s9 =	smul.u32 $0xF7A, s1;
	s8 =	simm.s32 @!p0 $0x1BF5;
	p2 =	por !p2, p0  }
0x20: {  	[sflag:s8] =	ssyncset.s32 @!p0 $0xFFFFF086;
	s6 =	sadd.s32 @!p0 s3, s7;
	s7 =	simm.s32 @!p0 $0x108  }
0x21: {  	s3 =	sadd.s32 s3, s9;
	s6 =	sadd.s32 @!p0 $0x88, s6;
	s7 =	simm.s32 @p2 $0x1082  }
0x22: {  	[simem:s7], [sflag:s8] =	dma.local @!p0 [hbm:s6], $0xF7A  }
0x23: {  	s9 =	sor.u32 $0xD0000000, s2;
	s6 =	simm.s32 $0x108;
	_ =	swait.ge @!p0 [sflag:s8], $0x0  }
0x24: {  	s3 =	sadd.s32 $0x88, s3;
	s6 =	simm.s32 @!p1 $0x1082;
	[sflag:s4] =	ssyncset.s32 $0xFFFFF086  }
0x25: {  	[simem:s6], [sflag:s4] =	dma.local [hbm:s3], $0xF7A  }
0x26: {  	[smem:$0x3F9B] =	sst s1;
	(tag) =	ssettag s2;
	_ =	strace s9  }
0x27: {  	s1 =	sld [smem:$0x3FAB]  }
0x28: {  	s2 =	sld [smem:$0x3FAC]  }
0x29: {  	s4 =	sld [smem:$0x3FAE]  }
0x2a: {  	p0 =	seq.s32 s5, $0x0;
	s5 =	sld [smem:$0x3FAF]  }
0x2b: {  	s6 =	sld [smem:$0x3FB0]  }
0x2c: {  	s7 =	sld [smem:$0x3FB1]  }
0x2d: {  	s3 =	simm.s32 $0x108;
	s8 =	sld [smem:$0x3FB2]  }
0x2e: {  	s3 =	simm.s32 @!p0 $0x1082;
	s9 =	sld [smem:$0x3FB3]  }
0x2f: {  	lr =	sadd.s32 s0, s3;
	s0 =	sld [smem:$0x3FAA]  }
0x30: {  	s3 =	sld [smem:$0x3FAD]  }
0x31: {  	[smem:$0x3FB6] =	sst s10  }
0x32: {  	s10 =	sld [smem:$0x3FB4];
	_ =	sdelay $0x3  }
0x33: {  	p0 =	seq.s32 s10, $0x1;
	s10 =	sld [smem:$0x3FB6];
	_ =	sdelay $0x3  }
0x34: {  	[smem:$0x3FB6] =	sst s10  }
0x35: {  	s10 =	sld [smem:$0x3FB5];
	_ =	sdelay $0x3  }
0x36: {  	p1 =	seq.s32 s10, $0x1;
	s10 =	sld [smem:$0x3FB6];
	_ =	sdelay $0x3  }
0x37: {  	[smem:$0x3FB6] =	sst s10  }
0x38: {  	s10 =	sld [smem:$0x3FB7]  }
0x39: {  	_ = 	snop;
	(pc) =	sbr.ind lr, $3  }
0x3a: {  	_ = 	snop  }
0x3b: {  	_ = 	snop  }
0x3c: {  	p2 =	seq.s32 s10, $0x1;
	s10 =	sld [smem:$0x3FB6]  }
0x3d: {  	_ =	shalt  }
0x3e: {  	_ =	shalt  }
0x3f: {  	_ =	shalt  }
0x40: {  	_ =	shalt  }
0x41: {  	_ =	shalt  }
0x42: {  	_ =	shalt  }
0x43: {  	_ =	shalt  }
0x44: {  	_ =	shalt  }
0x45: {  	_ =	shalt  }
0x46: {  	_ =	shalt  }
0x47: {  	_ =	shalt  }
0x48: {  	_ =	shalt  }
0x49: {  	_ =	shalt  }
0x4a: {  	_ =	shalt  }
0x4b: {  	_ =	shalt  }
0x4c: {  	_ =	shalt  }
0x4d: {  	_ =	shalt  }
0x4e: {  	_ =	shalt  }
0x4f: {  	_ =	shalt  }
0x50: {  	_ =	shalt  }
0x51: {  	_ =	shalt  }
0x52: {  	_ =	shalt  }
0x53: {  	_ =	shalt  }
0x54: {  	_ =	shalt  }
0x55: {  	_ =	shalt  }
0x56: {  	_ =	shalt  }
0x57: {  	_ =	shalt  }
0x58: {  	_ =	shalt  }
0x59: {  	_ =	shalt  }
0x5a: {  	_ =	shalt  }
0x5b: {  	_ =	shalt  }
0x5c: {  	_ =	shalt  }
0x5d: {  	_ =	shalt  }
0x5e: {  	_ =	shalt  }
0x5f: {  	_ =	shalt  }
0x60: {  	_ =	shalt  }
0x61: {  	_ =	shalt  }
0x62: {  	_ =	shalt  }
0x63: {  	_ =	shalt  }
0x64: {  	_ =	shalt  }
0x65: {  	_ =	shalt  }
0x66: {  	_ =	shalt  }
0x67: {  	_ =	shalt  }
0x68: {  	_ =	shalt  }
0x69: {  	_ =	shalt  }
0x6a: {  	_ =	shalt  }
0x6b: {  	_ =	shalt  }
0x6c: {  	_ =	shalt  }
0x6d: {  	_ =	shalt  }
0x6e: {  	_ =	shalt  }
0x6f: {  	_ =	shalt  }
0x70: {  	_ =	shalt  }
0x71: {  	_ =	shalt  }
0x72: {  	_ =	shalt  }
0x73: {  	_ =	shalt  }
0x74: {  	_ =	shalt  }
0x75: {  	_ =	shalt  }
0x76: {  	_ =	shalt  }
0x77: {  	_ =	shalt  }
0x78: {  	_ =	shalt  }
0x79: {  	_ =	shalt  }
0x7a: {  	_ =	shalt  }
0x7b: {  	_ =	shalt  }
0x7c: {  	_ =	shalt  }
0x7d: {  	_ =	shalt  }
0x7e: {  	_ =	shalt  }
0x7f: {  	_ =	shalt  }
0x80: {  	_ =	shalt  }
0x81: {  	_ =	shalt  }
0x82: {  	_ =	shalt  }
0x83: {  	_ =	shalt  }
0x84: {  	_ =	shalt  }
0x85: {  	_ =	shalt  }
0x86: {  	_ =	shalt  }
0x87: {  	_ =	shalt  }
.Lfunc_end0:
.L_simem_size_0:
called_computation_lowered:
.L_overlay_start_0:
0x88: {  	s2 =	sld [smem:$0x3FD9]  }
0x89: {  	s3 =	sld [smem:$0x3FFE];
	_ =	sdelay $0x1  }
0x8a: {  	s1 =	srdreg.scid  }
0x8b: {  	s0 =	sand.u32 $0x1, s1  }
0x8c: {  	s17 =	sshll.u32 s0, $0xA;
	s2 =	sadd.s32 s3, s2  }
0x8d: {  	s2 =	sadd.s32 s2, s17  }
0x8e: {  	[smem:$0x3FC2] =	sst s2  }
0x8f: {  	_ = 	snop  }
0x90: {  	s2 =	sld [smem:$0x3FD0];
	(tm) =	ssettm $0x1  }
0x91: {  	s18 =	sld [smem:$0x3FFB];
	_ =	sdelay $0x3  }
0x92: {  	_ =	strace s18  }
0x93: {  	s3 =	sld [smem:$0x3FFC];
	_ =	sdelay $0x3  }
0x94: {  	_ =	strace s3  }
0x95: {  	s3 =	sld [smem:$0x3FFD];
	_ =	sdelay $0x3  }
0x96: {  	_ =	strace s3  }
0x97: {  	_ =	strace $0x8FFFFFFF  }
0x98: {  	s19 =	sld [smem:$0x3FDB];
	_ =	sdelay $0x1  }
0x99: {  	s4 =	simm.s32 $_scs_section_size  }
0x9a: {  	s5 =	simm.s32 $_size__tile_overlayer_lowered;
	s6 =	simm.s32 $_tile_overlayer_lowered  }
0x9b: {  	s22 =	simm.s32 $0x1BFF;
	s21 =	sshll.u32 s6, $0x1;
	s3 =	sadd.s32 s4, s19  }
0x9c: {  	s7 =	simm.s32 $0x0;
	s20 =	sshll.u32 s5, $0x1;
	s5 =	sadd.s32 s21, s3  }
0x9d: {  	[timem:s7], [sflag:s22] =	dma.local [hbm:s5], s20  }
0x9e: {  	_ =	swait.ge [sflag:s22], s20  }
0x9f: {  	s4 =	ssub.s32 $0x0, s20;
	[sflag:s22] =	ssyncset.done $0x0  }
0xa0: {  	[sflag:s22] =	ssyncadd.s32 s4;
	_ =	sdelay $0x1  }
0xa1: {  	s23 =	simm.s32 $0x1B8B  }
0xa2: {  	_ =	swait.ge [sflag:s23], $0x1  }
0xa3: {  	[sflag:s23] =	ssyncset.done $0x0  }
0xa4: {  	s25 =	simm.s32 $0x1B8E;
	s24 =	sld [smem:$0x3FFE];
	[sflag:s23] =	ssyncadd.s32 $0xFFFFFFFF  }
0xa5: {  	s26 =	simm.s32 $execute0_lowered;
	[smem:$0x3FD2] =	sst s25  }
0xa6: {  	s5 =	sshll.u32 s26, $0x1;
	_ =	strace $0x80000046;
	[dreg:$0x1] =	wrdreg $0xFFFFFFFF  }
0xa7: {  	s28 =	simm.s32 $_size_execute0_lowered;
	s3 =	sadd.s32 s3, s5;
	[dreg:$0x0] =	wrdreg $0x0  }
0xa8: {  	s5 =	sshll.u32 s28, $0x1;
	[dreg:$0x2] =	wrdreg s3  }
0xa9: {  	[dreg:$0x3] =	wrdreg s5  }
0xaa: {  	[dreg:$0x4] =	wrdreg $0xC0  }
0xab: {  	_ =	task [dreg:s7], $0x5FFFF  }
0xac: {  	[dreg:$0x1] =	wrdreg $0xFFFFFFFF  }
0xad: {  	[dreg:$0x0] =	wrdreg $0x60  }
0xae: {  	[dreg:$0x2] =	wrdreg s2  }
0xaf: {  	[dreg:$0x3] =	wrdreg s24  }
0xb0: {  	[dreg:$0x4] =	wrdreg $0x0  }
0xb1: {  	[dreg:$0x5] =	wrdreg $0x138800  }
0xb2: {  	[dreg:$0x6] =	wrdreg $0x9  }
0xb3: {  	_ =	task.clear_ibuf [dreg:s7], $0x7FFFF;
	_ =	strace $0x90000046  }
0xb4: {  	s29 =	simm.s32 $0x9;
	_ =	strace $0x80000048  }
0xb5: {  	_ =	swait.ge [sflag:s29], $0x1  }
0xb6: {  	[sflag:s29] =	ssyncadd.s32 $0xFFFFFFFF  }
0xb7: {  	_ =	strace $0x90000048  }
0xb8: {  	_ =	sfence  }
0xb9: {  	s30 =	sld [smem:$0x0];
	_ =	sdelay $0x2  }
0xba: {  	s31 =	sshll.u32 s1, $0xD;
	s1 =	sshrl.u32 s1, $0x2  }
0xbb: {  	s3 =	sand.u32 $0x4000, s31;
	s1 =	sadd.s32 s1, s30  }
0xbc: {  	s0 =	sor.u32 s3, s0;
	s1 =	sshll.u32 s1, $0x11  }
0xbd: {  	s0 =	sor.u32 s1, s0  }
0xbe: {  	s0 =	sadd.s32 $0x8F2B, s0  }
0xbf: {  	[sflag:s0] =	ssyncadd.remote.s32 $0x1  }
0xc0: {  	_ =	sfence.sel $0xFFFF  }
0xc1: {  	[dreg:$0x0] =	wrdreg $0xFFFFFFFF;
	(pc) =	sbr.abs _section_cstart, $3  }
0xc2: {  	[dreg:$0x1] =	wrdreg $0xFFFFFFFF  }
0xc3: {  	_ =	task.clear_ibuf [dreg:s7], $0x2FFFF;
	_ =	strace $0x9FFFFFFF  }
0xc4: {  	(tm) =	ssettm $0x7FFFFFFF  }
0xc5: {  	_ =	shalt  }
tec
execute0_lowered:
.L_overlay_start_1:
0x0: {  	(tag) =	ssettag $0x1  }
0x1: {  	s1 =	rddreg [dreg:$0x0]  }
0x2: {  	s0 =	rddreg [dreg:$0x1]  }
0x3: {  	s2 =	rddreg [dreg:$0x2]  }
0x4: {  	s23 =	rddreg [dreg:$0x3];
	s4 =	simm.s32 $0x0;
	s20 =	srdreg.scid  }
0x5: {  	s8 =	stileid.u32;
	s31 =	simm.s32 $0x1;
	s28 =	simm.s32 $0x0  }
0x6: {  	[smem:$0x7FF] =	sst s4;
	s5 =	sadd.s32 $0x6000, s0;
	s3 =	sadd.s32 $0x1000, s0  }
0x7: {  	s6 =	sadd.s32 $0x10000, s0;
	s7 =	sadd.s32 $0xFE00, s0;
	s14 =	sadd.s32 $0x13400, s0  }
0x8: {  	s16 =	sadd.s32 $0x3A600, s0;
	s9 =	smul.u32 $0x4E000, s8;
	s10 =	sadd.s32 $0x12800, s0  }
0x9: {  	s13 =	smul.u32 $0x2700, s8;
	_ =	strace $0x80000047;
	[dreg:$0x5] =	wrdreg s7  }
0xa: {  	s0 =	sadd.s32 $0x12E00, s0;
	s24 =	sshll.u32 s8, $0x6;
	[dreg:$0x8] =	wrdreg s10  }
0xb: {  	s26 =	smul.u32 $0x2710, s8;
	s29 =	sadd.s32 $0x138000, s2;
	[dreg:$0x9] =	wrdreg s0  }
0xc: {  	s30 =	smul.u32 $0x4E2, s8;
	p2 =	sne.s32 s8, $0xF;
	[dreg:$0xb] =	wrdreg s24  }
0xd: {  	p0 =	sne.s32 s8, $0x0;
	p3 =	seq.s32 s8, $0xF;
	[dreg:$0xd] =	wrdreg s29  }
0xe: {  	p4 =	seq.s32 s8, $0x0;
	s8 =	simm.s32 $0x13C00;
	[dreg:$0x7] =	wrdreg s16  }
0xf: {  	s7 =	sand.u32 $0x1, s20;
	s15 =	sor.u32 $0x1C01, s24;
	[dreg:$0x6] =	wrdreg s14  }
0x10: {  	s21 =	ssub.s32 $0x2, s7;
	s11 =	smul.u32 $0x27100, s7;
	s9 =	sshrl.u32 s9, $0x2  }
0x11: {  	s25 =	smul.u32 $0x138800, s7;
	p1 =	seq.s32 s7, $0x0;
	s19 =	sadd.s32 s16, s13  }
0x12: {  	s16 =	simm.s32 $0x1C580;
	s7 =	simm.s32 $0x80;
	s12 =	sshrl.u32 s21, $0x1  }
0x13: {  	s9 =	sadd.s32 s9, s2;
	[dreg:$0x11] =	wrdreg s19;
	s0 =	ssub.s32 s21, s12  }
0x14: {  	[dreg:$0xa] =	wrdreg s9;
	s22 =	sadd.s32 s13, s11;
	s10 =	sshrl.u32 s25, $0x3  }
0x15: {  	s11 =	sadd.s32 s26, s11;
	s21 =	sadd.s32 s14, s13;
	s12 =	simm.s32 $0x13D00  }
0x16: {  	s14 =	simm.s32 $0x5;
	s13 =	simm.s32 $0x17D00;
	s9 =	sadd.s32 s1, s22  }
0x17: {  	s10 =	sadd.s32 s1, s10;
	s18 =	sshrl.u32 s11, $0x3;
	[dreg:$0x12] =	wrdreg s21  }
0x18: {  	s20 =	sadd.s32 $0x180, s11;
	s0 =	smax.u32 s0, $0x1;
	[dreg:$0xc] =	wrdreg s9  }
0x19: {  	s24 =	sadd.s32 $0x100, s11;
	s11 =	simm.s32 $0x13B00;
	[dreg:$0x13] =	wrdreg s0  }
0x1a: {  	s10 =	sadd.s32 $0x27000, s10;
	s22 =	sshrl.u32 s20, $0x3;
	[dreg:$0x15] =	wrdreg s24  }
0x1b: {  	s9 =	sshrl.u32 s26, $0x3;
	[dreg:$0xf] =	wrdreg s10;
	s0 =	sadd.s32 s22, s5  }
0x1c: {  	s21 =	simm.s32 $0x4;
	s17 =	sadd.s32 s3, s9;
	[dreg:$0x16] =	wrdreg s0  }
0x1d: {  	s3 =	sadd.s32 s30, s3;
	s9 =	sadd.s32 s5, s18;
	[dreg:$0xe] =	wrdreg s17  }
0x1e: {  	s24 =	simm.s32 $0x1ED80;
	s3 =	sadd.s32 $0x20, s3;
	[dreg:$0x10] =	wrdreg s9  }
.Ltmp0:
0x1f: {  	s25 =	sadd.s32 $0x10, s9;
	[dreg:$0x14] =	wrdreg s3;
	(pc) =	sbr.rel .LBB2_1-.Ltmp0, $4  }
0x20: {  	s20 =	simm.s32 $0x13C80;
	s26 =	sadd.s32 $0x10, s17;
	[dreg:$0x17] =	wrdreg s25  }
0x21: {  	s18 =	simm.s32 $0x2;
	s29 =	sadd.s32 $0x4E0, s17;
	[dreg:$0x18] =	wrdreg s26  }
0x22: {  	s22 =	simm.s32 $0x6;
	s30 =	sadd.s32 $0x4E0, s9;
	[dreg:$0x19] =	wrdreg s29  }
0x23: {  	v0 =	vimm.f32 $1.000000000e+00;
	s9 =	simm.s32 $0x13B80;
	s17 =	simm.s32 $0x3;
	[dreg:$0x1a] =	wrdreg s30  }
.LBB2_6:
0x24: {  	s30 =	rddreg [dreg:$0xd]  }
0x25: {  	s0 =	sadd.s32 $0x27000, s10;
	s10 =	sshrl.u32 s30, $0x3  }
0x26: {  	[hbm:s0], [sflag:s3] =	dma.local [spmem:s10], $0x100  }
0x27: {  	_ =	swait.ge [sflag:s22], $0x100  }
0x28: {  	[sflag:s22] =	ssyncset.done $0x0  }
0x29: {  	[sflag:s22] =	ssyncadd.s32 $0xFFFFFF00  }
.LBB2_7:
0x2a: {  	s28 =	sadd.s32 $0x1, s28;
	s0 =	rddreg [dreg:$0x13]  }
0x2b: {  	p5 =	sne.s32 s28, s0  }
.Ltmp1:
0x2c: {  	_ = 	snop;
	(pc) =	sbr.rel @!p5 .LBB2_8-.Ltmp1, $1  }
0x2d: {  	_ =	sdelay $0x3  }
.LBB2_1:
0x2e: {  	s0 =	rddreg [dreg:$0xa]  }
0x2f: {  	s26 =	rddreg [dreg:$0xc];
	s25 =	sshrl.u32 s0, $0x3  }
0x30: {  	[spmem:s25], [sflag:s15] =	dma.local [hbm:s26], $0x2700  }
0x31: {  	_ =	swait.ge [sflag:s31], $0x2700  }
0x32: {  	[sflag:s31] =	ssyncset.done $0x0;
	s0 =	rddreg [dreg:$0xd]  }
0x33: {  	[sflag:s31] =	ssyncadd.s32 $0xFFFFD900;
	s3 =	sshrl.u32 @!p2 s0, $0x3;
	s0 =	rddreg [dreg:$0xf]  }
0x34: {  	[spmem:s3], [sflag:s15] =	dma.local @!p2 [hbm:s0], $0x100  }
0x35: {  	s3 =	simm.s32 @!p2 $0x1  }
0x36: {  	_ =	swait.ge @!p2 [sflag:s3], $0x100  }
0x37: {  	[sflag:s3] =	ssyncset.done @!p2 $0x0  }
0x38: {  	[sflag:s3] =	ssyncadd.s32 @!p2 $0xFFFFFF00  }
0x39: {  	[tilespmem:s16], [sflag:$0x1] =	stream.linear.gather [hbm4b:s6+s4], $0x2800, $0x38;
	[tilespmem:$0x1EE00] =	vst v63  }
0x3a: {  	_ =	swait.ge [sflag:s31], $0x2800  }
0x3b: {  	[sflag:s31] =	ssyncset.done $0x0  }
0x3c: {  	s3 =	rddreg [dreg:$0x5];
	[sflag:s31] =	ssyncadd.s32 $0xFFFFD800  }
0x3d: {  	[tilespmem:s24], [sflag:$0x1] =	stream.linear.gather [hbm4b:s3+s4], $0x80, $0x38;
	[tilespmem:$0x1EE00] =	vst v63  }
0x3e: {  	_ =	swait.ge [sflag:s31], $0x80  }
0x3f: {  	[sflag:s31] =	ssyncset.done $0x0  }
0x40: {  	s19 =	sshrl.u32 @!p0 s23, $0x3;
	s3 =	simm.s32 @!p0 $0x1C06;
	[sflag:s31] =	ssyncadd.s32 $0xFFFFFF80  }
0x41: {  	[spmem:s19], [sflag:s3] =	dma.local @!p0 [hbm:s6], $0x500  }
0x42: {  	s3 =	simm.s32 @!p0 $0x6  }
0x43: {  	_ =	swait.ge @!p0 [sflag:s3], $0x500  }
0x44: {  	[sflag:s3] =	ssyncset.done @!p0 $0x0  }
0x45: {  	[sflag:s3] =	ssyncadd.s32 @!p0 $0xFFFFFB00  }
0x46: {  	[bflag:$0x0] =	sbarrier.arrive $0xFFFF  }
0x47: {  	s10 =	rddreg [dreg:$0x10]  }
0x48: {  	[tilespmem:s11], [sflag:$0x4] =	stream.linear.gather [hbm4b:s10+s4], $0x80, $0x38;
	[tilespmem:$0x1EE00] =	vst v63  }
0x49: {  	s16 =	smov.u32 s23;
	s23 =	rddreg [dreg:$0xe]  }
0x4a: {  	[tilespmem:s8], [sflag:$0x4] =	stream.linear.gather [hbm4b:s23+s4], $0x80, $0x38;
	[tilespmem:$0x1EE00] =	vst v63  }
0x4b: {  	s24 =	rddreg [dreg:$0x17]  }
0x4c: {  	[tilespmem:s9], [sflag:$0x5] =	stream.linear.gather [hbm4b:s24+s4], $0x80, $0x38;
	[tilespmem:$0x1EE00] =	vst v63  }
0x4d: {  	s26 =	rddreg [dreg:$0x18]  }
0x4e: {  	[tilespmem:s20], [sflag:$0x5] =	stream.linear.gather [hbm4b:s26+s4], $0x80, $0x38;
	[tilespmem:$0x1EE00] =	vst v63  }
0x4f: {  	_ =	swait.ge [sflag:s21], $0x80  }
0x50: {  	[sflag:s21] =	ssyncset.done $0x0  }
0x51: {  	[sflag:s21] =	ssyncadd.s32 $0xFFFFFF80  }
0x52: {  	_ =	swait.ge [sflag:s21], $0x80  }
0x53: {  	s29 =	rddreg [dreg:$0x16]  }
0x54: {  	[sflag:s21] =	ssyncset.done $0x0;
	s10 =	rddreg [dreg:$0x15]  }
0x55: {  	s3 =	simm.s32 $0x0;
	s30 =	rddreg [dreg:$0x14];
	[sflag:s21] =	ssyncadd.s32 $0xFFFFFF80  }
0x56: {  	[tilespmem:s12], [sflag:$0x2] =	stream.indirect.gather [hbm4b:s1+s7], $0x80, s11, s7, $0xb8;
	[tilespmem:$0x1EE00] =	vst v63  }
.LBB2_2:
0x57: {  	_ =	swait.ge [sflag:s14], $0x80  }
0x58: {  	[sflag:s14] =	ssyncset.done $0x0  }
0x59: {  	p5 =	sgt.u32 s3, $0x13;
	[sflag:s14] =	ssyncadd.s32 $0xFFFFFF80  }
0x5a: {  	s23 =	simm.s32 $0x1;
	s26 =	simm.s32 $0x1;
	_ =	swait.ge [sflag:s14], $0x80  }
0x5b: {  	s23 =	simm.s32 @!p5 $0x0;
	s26 =	simm.s32 @!p1 $0x0;
	[sflag:s14] =	ssyncset.done $0x0  }
0x5c: {  	p5 =	seq.s32 s26, s23;
	[sflag:s14] =	ssyncadd.s32 $0xFFFFFF80  }
0x5d: {  	[tilespmem:s13], [sflag:$0x3] =	stream.indirect.gather [hbm4b:s1+s7], $0x80, s9, s7, $0xb8;
	[tilespmem:$0x1EE00] =	vst v63  }
0x5e: {  	v1 =	vld @!p5 [tilespmem:$0x13C00];
	_ =	sdelay $0x6  }
0x5f: {  	v2 =	vimm.f32 @!p5 $1.000000000e+00;
	s23 =	simm.s32 @!p5 $0x1C580  }
0x60: {  	[tilespmem:v1+s23+$0x0] =	vst.idx.add.f32.msk @!p5 $0xffff, v2  }
0x61: {  	v1 =	vld @!p5 [tilespmem:$0x13C10];
	_ =	sdelay $0x7  }
0x62: {  	[tilespmem:v1+s23+$0x0] =	vst.idx.add.f32.msk @!p5 $0xffff, v2  }
0x63: {  	v1 =	vld @!p5 [tilespmem:$0x13C20];
	_ =	sdelay $0x7  }
0x64: {  	[tilespmem:v1+s23+$0x0] =	vst.idx.add.f32.msk @!p5 $0xffff, v2  }
0x65: {  	v1 =	vld @!p5 [tilespmem:$0x13C30];
	_ =	sdelay $0x7  }
0x66: {  	[tilespmem:v1+s23+$0x0] =	vst.idx.add.f32.msk @!p5 $0xffff, v2  }
0x67: {  	v1 =	vld @!p5 [tilespmem:$0x13C40];
	_ =	sdelay $0x7  }
0x68: {  	[tilespmem:v1+s23+$0x0] =	vst.idx.add.f32.msk @!p5 $0xffff, v2  }
0x69: {  	v1 =	vld @!p5 [tilespmem:$0x13C50];
	_ =	sdelay $0x7  }
0x6a: {  	[tilespmem:v1+s23+$0x0] =	vst.idx.add.f32.msk @!p5 $0xffff, v2  }
0x6b: {  	v1 =	vld @!p5 [tilespmem:$0x13C60];
	_ =	sdelay $0x7  }
0x6c: {  	[tilespmem:v1+s23+$0x0] =	vst.idx.add.f32.msk @!p5 $0xffff, v2  }
0x6d: {  	v1 =	vld @!p5 [tilespmem:$0x13C70];
	_ =	sdelay $0x7  }
0x6e: {  	[tilespmem:v1+s23+$0x0] =	vst.idx.add.f32.msk @!p5 $0xffff, v2  }
0x6f: {  	_ =	swait.ge [sflag:s18], $0x4000  }
0x70: {  	[sflag:s18] =	ssyncset.done $0x0  }
0x71: {  	[sflag:s18] =	ssyncadd.s32 $0xFFFFC000  }
0x72: {  	[spmem:s2] =	stream.indirect.scatter.add.f32 [tilespmem:s12], [sflag:$0x6], $0x80, s8, s7, $0xb8;
	[tilespmem:$0x1EE00] =	vst v63  }
0x73: {  	p5 =	seq.s32 s3, $0x26;
	_ =	swait.ge [sflag:s22], $0x4000  }
0x74: {  	s23 =	sshrl.u32 @!p5 s10, $0x3;
	s24 =	simm.s32 @!p5 $0x0;
	[sflag:s22] =	ssyncset.done $0x0  }
0x75: {  	s0 =	simm.s32 @!p5 $0x13B00;
	s23 =	sadd.s32 @!p5 s5, s23;
	[sflag:s22] =	ssyncadd.s32 $0xFFFFC000  }
0x76: {  	[tilespmem:s0], [sflag:$0x4] =	stream.linear.gather @!p5 [hbm4b:s23+s24], $0x80, $0x38;
	[tilespmem:$0x1EE00] =	vst v63  }
0x77: {  	s23 =	simm.s32 @!p5 $0x13C00  }
0x78: {  	[tilespmem:s23], [sflag:$0x4] =	stream.linear.gather @!p5 [hbm4b:s30+s24], $0x80, $0x38;
	[tilespmem:$0x1EE00] =	vst v63  }
0x79: {  	s23 =	simm.s32 @!p5 $0x4  }
0x7a: {  	_ =	swait.ge @!p5 [sflag:s23], $0x80  }
0x7b: {  	[sflag:s23] =	ssyncset.done @!p5 $0x0  }
0x7c: {  	[sflag:s23] =	ssyncadd.s32 @!p5 $0xFFFFFF80  }
0x7d: {  	_ =	swait.ge @!p5 [sflag:s23], $0x80  }
0x7e: {  	[sflag:s23] =	ssyncset.done @!p5 $0x0  }
0x7f: {  	s24 =	simm.s32 @!p5 $0x13D00;
	[sflag:s23] =	ssyncadd.s32 @!p5 $0xFFFFFF80;
	s23 =	simm.s32 @!p5 $0x80  }
0x80: {  	[tilespmem:s24], [sflag:$0x2] =	stream.indirect.gather @!p5 [hbm4b:s1+s23], $0x80, s0, s23, $0xb8;
	[tilespmem:$0x1EE00] =	vst v63  }
0x81: {  	p6 =	sgt.u32 s3, $0x12;
	s0 =	simm.s32 $0x1  }
0x82: {  	s0 =	simm.s32 @!p6 $0x0  }
0x83: {  	p6 =	seq.s32 s26, s0  }
0x84: {  	v1 =	vld @!p6 [tilespmem:$0x13C80];
	_ =	sdelay $0x6  }
0x85: {  	v2 =	vimm.f32 @!p6 $1.000000000e+00;
	s0 =	simm.s32 @!p6 $0x1C580  }
0x86: {  	[tilespmem:v1+s0+$0x0] =	vst.idx.add.f32.msk @!p6 $0xffff, v2  }
0x87: {  	v1 =	vld @!p6 [tilespmem:$0x13C90];
	_ =	sdelay $0x7  }
0x88: {  	[tilespmem:v1+s0+$0x0] =	vst.idx.add.f32.msk @!p6 $0xffff, v2  }
0x89: {  	v1 =	vld @!p6 [tilespmem:$0x13CA0];
	_ =	sdelay $0x7  }
0x8a: {  	[tilespmem:v1+s0+$0x0] =	vst.idx.add.f32.msk @!p6 $0xffff, v2  }
0x8b: {  	v1 =	vld @!p6 [tilespmem:$0x13CB0];
	_ =	sdelay $0x7  }
0x8c: {  	[tilespmem:v1+s0+$0x0] =	vst.idx.add.f32.msk @!p6 $0xffff, v2  }
0x8d: {  	v1 =	vld @!p6 [tilespmem:$0x13CC0];
	_ =	sdelay $0x7  }
0x8e: {  	[tilespmem:v1+s0+$0x0] =	vst.idx.add.f32.msk @!p6 $0xffff, v2  }
0x8f: {  	v1 =	vld @!p6 [tilespmem:$0x13CD0];
	_ =	sdelay $0x7  }
0x90: {  	[tilespmem:v1+s0+$0x0] =	vst.idx.add.f32.msk @!p6 $0xffff, v2  }
0x91: {  	v1 =	vld @!p6 [tilespmem:$0x13CE0];
	_ =	sdelay $0x7  }
0x92: {  	[tilespmem:v1+s0+$0x0] =	vst.idx.add.f32.msk @!p6 $0xffff, v2  }
0x93: {  	v1 =	vld @!p6 [tilespmem:$0x13CF0];
	_ =	sdelay $0x7  }
0x94: {  	[tilespmem:v1+s0+$0x0] =	vst.idx.add.f32.msk @!p6 $0xffff, v2  }
0x95: {  	_ =	swait.ge [sflag:s17], $0x4000  }
0x96: {  	[sflag:s17] =	ssyncset.done $0x0  }
.Ltmp2:
0x97: {  	[sflag:s17] =	ssyncadd.s32 $0xFFFFC000;
	(pc) =	sbr.rel @p5 .LBB2_4-.Ltmp2, $4  }
0x98: {  	[spmem:s2] =	stream.indirect.scatter.add.f32 [tilespmem:s13], [sflag:$0x6], $0x80, s20, s7, $0xb8;
	[tilespmem:$0x1EE00] =	vst v63  }
0x99: {  	_ =	swait.ge [sflag:s22], $0x4000  }
0x9a: {  	[sflag:s22] =	ssyncset.done $0x0  }
0x9b: {  	[sflag:s22] =	ssyncadd.s32 $0xFFFFC000  }
.Ltmp3:
0x9c: {  	(pc) =	sbr.rel .LBB2_2-.Ltmp3, $4  }
0x9d: {  	[tilespmem:s9], [sflag:$0x5] =	stream.linear.gather [hbm4b:s29+s4], $0x80, $0x38;
	[tilespmem:$0x1EE00] =	vst v63  }
0x9e: {  	s0 =	sadd.s32 $0x10, s30;
	s3 =	sadd.s32 $0x1, s3  }
0x9f: {  	s30 =	sadd.s32 $0x20, s30;
	s10 =	sadd.s32 $0x100, s10;
	s29 =	sadd.s32 $0x20, s29  }
0xa0: {  	[tilespmem:s20], [sflag:$0x5] =	stream.linear.gather [hbm4b:s0+s4], $0x80, $0x38;
	[tilespmem:$0x1EE00] =	vst v63  }
.LBB2_4:
0xa1: {  	s0 =	rddreg [dreg:$0x19];
	s3 =	simm.s32 $0x1BD00  }
0xa2: {  	[tilespmem:s3], [sflag:$0x6] =	stream.linear.gather [hbm4b:s0+s4], $0x10, $0x38;
	[tilespmem:$0x1EE00] =	vst v63  }
0xa3: {  	_ =	swait.ge [sflag:s22], $0x10  }
0xa4: {  	[sflag:s22] =	ssyncset.done $0x0  }
0xa5: {  	s29 =	rddreg [dreg:$0x1a];
	[sflag:s22] =	ssyncadd.s32 $0xFFFFFFF0  }
0xa6: {  	[tilespmem:s11], [sflag:$0x6] =	stream.linear.gather [hbm4b:s29+s4], $0x10, $0x38;
	[tilespmem:$0x1EE00] =	vst v63  }
0xa7: {  	_ =	swait.ge [sflag:s22], $0x10  }
0xa8: {  	[sflag:s22] =	ssyncset.done $0x0  }
0xa9: {  	s30 =	simm.s32 $0x10;
	s10 =	simm.s32 $0x1BD80;
	[sflag:s22] =	ssyncadd.s32 $0xFFFFFFF0  }
0xaa: {  	[tilespmem:s10], [sflag:$0x1] =	stream.indirect.gather [hbm4b:s1+s30], $0x80, s11, s30, $0xb8;
	[tilespmem:$0x1EE00] =	vst v63  }
0xab: {  	_ =	swait.ge [sflag:s31], $0x800  }
0xac: {  	[sflag:s31] =	ssyncset.done $0x0  }
.Ltmp4:
0xad: {  	[sflag:s31] =	ssyncadd.s32 $0xFFFFF800;
	(pc) =	sbr.rel @!p1 .LBB2_5-.Ltmp4, $4  }
0xae: {  	[spmem:s2] =	stream.indirect.scatter.add.f32 [tilespmem:s10], [sflag:$0x6], $0x80, s3, s30, $0xb8;
	[tilespmem:$0x1EE00] =	vst v63  }
0xaf: {  	_ =	swait.ge [sflag:s22], $0x800  }
0xb0: {  	[sflag:s22] =	ssyncset.done $0x0  }
0xb1: {  	s23 =	smov.u32 s16;
	s24 =	simm.s32 $0x1ED80;
	[sflag:s22] =	ssyncadd.s32 $0xFFFFF800  }
0xb2: {  	s16 =	simm.s32 $0x1C580;
	s0 =	simm.s32 $0x50  }
0xb3: {  	[spmem:s23] =	stream.indirect.scatter.add.f32 [tilespmem:s16], [sflag:$0x6], $0x80, s24, s0, $0xb8;
	[tilespmem:$0x1EE00] =	vst v63  }
0xb4: {  	_ =	swait.ge [sflag:s22], $0x2800  }
0xb5: {  	[sflag:s22] =	ssyncset.done $0x0  }
0xb6: {  	[sflag:s22] =	ssyncadd.s32 $0xFFFFD800  }
0xb7: {  	[bflag:$0x0] =	sbarrier.arrive $0xFFFF  }
0xb8: {  	s0 =	simm.s32 @!p0 $0x1C06;
	s3 =	rddreg [dreg:$0x8]  }
0xb9: {  	[hbm:s3], [sflag:s0] =	dma.local @!p0 [spmem:s19], $0x500  }
0xba: {  	s0 =	simm.s32 @!p0 $0x6  }
0xbb: {  	_ =	swait.ge @!p0 [sflag:s0], $0x500  }
0xbc: {  	[sflag:s0] =	ssyncset.done @!p0 $0x0;
	s29 =	rddreg [dreg:$0xb]  }
0xbd: {  	s30 =	rddreg [dreg:$0x12];
	[sflag:s0] =	ssyncadd.s32 @!p0 $0xFFFFFB00;
	s3 =	sor.u32 $0x1C06, s29  }
0xbe: {  	[hbm:s30], [sflag:s3] =	dma.local [spmem:s25], $0x2700  }
.Ltmp5:
0xbf: {  	_ = 	snop;
	(pc) =	sbr.rel @p3 .LBB2_6-.Ltmp5, $4  }
.Ltmp6:
0xc0: {  	_ = 	snop;
	(pc) =	sbr.rel @!p3 .LBB2_7-.Ltmp6, $4  }
0xc1: {  	_ =	swait.ge [sflag:s22], $0x2700  }
0xc2: {  	[sflag:s22] =	ssyncset.done $0x0  }
0xc3: {  	s10 =	rddreg [dreg:$0x6];
	[sflag:s22] =	ssyncadd.s32 $0xFFFFD900  }
0xc4: {  	_ = 	snop  }
.LBB2_5:
0xc5: {  	v1 =	vld [tilespmem:$0x1BD00];
	_ =	sdelay $0x6  }
0xc6: {  	s16 =	simm.s32 $0x1C580  }
0xc7: {  	s0 =	simm.s32 $0x50;
	[tilespmem:v1+s16+$0x0] =	vst.idx.add.f32.msk $0xffff, v0  }
0xc8: {  	[spmem:s23] =	stream.indirect.scatter.add.f32 [tilespmem:s16], [sflag:$0x6], $0x80, s24, s0, $0xb8;
	[tilespmem:$0x1EE00] =	vst v63  }
0xc9: {  	_ =	swait.ge [sflag:s22], $0x2800  }
0xca: {  	[sflag:s22] =	ssyncset.done $0x0  }
0xcb: {  	[sflag:s22] =	ssyncadd.s32 $0xFFFFD800  }
0xcc: {  	[bflag:$0x0] =	sbarrier.arrive $0xFFFF  }
0xcd: {  	s3 =	simm.s32 @p4 $0x1C06;
	s0 =	sshrl.u32 @p4 s23, $0x3;
	s10 =	rddreg [dreg:$0x9]  }
0xce: {  	[hbm:s10], [sflag:s3] =	dma.local @p4 [spmem:s0], $0x500  }
0xcf: {  	s0 =	simm.s32 @p4 $0x6  }
0xd0: {  	_ =	swait.ge @p4 [sflag:s0], $0x500  }
0xd1: {  	[sflag:s0] =	ssyncset.done @p4 $0x0;
	s29 =	rddreg [dreg:$0xb]  }
0xd2: {  	s30 =	rddreg [dreg:$0x11];
	[sflag:s0] =	ssyncadd.s32 @p4 $0xFFFFFB00;
	s3 =	sor.u32 $0x1C06, s29  }
0xd3: {  	[hbm:s30], [sflag:s3] =	dma.local [spmem:s25], $0x2700  }
.Ltmp7:
0xd4: {  	_ = 	snop;
	(pc) =	sbr.rel @p2 .LBB2_7-.Ltmp7, $4  }
.Ltmp8:
0xd5: {  	_ = 	snop;
	(pc) =	sbr.rel @!p2 .LBB2_6-.Ltmp8, $4  }
0xd6: {  	_ =	swait.ge [sflag:s22], $0x2700  }
0xd7: {  	[sflag:s22] =	ssyncset.done $0x0  }
0xd8: {  	s10 =	rddreg [dreg:$0x7];
	[sflag:s22] =	ssyncadd.s32 $0xFFFFD900  }
0xd9: {  	_ = 	snop  }
.LBB2_8:
0xda: {  	_ =	sfence.sel $0x180000  }
0xdb: {  	[bflag:$0x0] =	sbarrier.arrive $0xFFFF  }
0xdc: {  	_ =	strace $0x90000047  }
0xdd: {  	[bflag:$0x2] =	sbarrier.arrive $0xFFFF  }
0xde: {  	s0 =	rddreg [dreg:$0x4]  }
0xdf: {  	s0 =	sadd.s32 @!p0 $0x100000, s0  }
0xe0: {  	[sflag:s0] =	ssyncadd.tile.s32 @!p0 $0x1;
	_ =	shalt  }
.Lfunc_end2:
_tile_overlayer_lowered:
.L_overlay_start_2:
0xe1: {  	(tag) =	ssettag $0x2  }
0xe2: {  	s0 =	rddreg [dreg:$0x0];
	s2 =	stileid.u32  }
0xe3: {  	s1 =	rddreg [dreg:$0x1];
	p0 =	sne.s32 s2, $0x0  }
0xe4: {  	s3 =	rddreg [dreg:$0x2];
	[bflag:$0x3] =	sbarrier.arrive $0xFFFF;
	s2 =	simm.s32 @!p0 $0x1C06  }
0xe5: {  	[timem:s3], [sflag:s2] =	dma.local @!p0 [hbm:s0], s1  }
0xe6: {  	s0 =	simm.s32 @!p0 $0x6  }
0xe7: {  	_ =	swait.ge @!p0 [sflag:s0], s1  }
0xe8: {  	s1 =	ssub.s32 @!p0 $0x0, s1;
	[sflag:s0] =	ssyncset.done @!p0 $0x0  }
0xe9: {  	[sflag:s0] =	ssyncadd.s32 @!p0 s1  }
0xea: {  	[bflag:$0x3] =	sbarrier.arrive $0xFFFF  }
0xeb: {  	_ =	shalt  }

</sc_bundles>
